<compile_context>
chip_gen: v7x
topology: tpu7x:2x2x1
jax: 0.10.2.dev20260603
libtpu: 0.0.44.dev20260713+nightly
codegen_flags: <defaults>
</compile_context>

<pallas_src>
import functools

import jax
import jax.numpy as jnp
from jax import lax
from jax.experimental import pallas as pl
from jax.experimental.pallas import tpu as pltpu
from jax.experimental.pallas import tpu_sc as plsc

N_V = 100000
M_TETS = 3200000
KT = M_TETS // 128

B = 512
NBLK = M_TETS // B
NW = 32
ITERS_W = (NBLK + NW - 1) // NW
FB = 4 * B
GPB = B // 16
RPB = FB // 128

T_PAD = 100352
STRIPE = T_PAD // 16
HALF = STRIPE // 2

_mesh = plsc.VectorSubcoreMesh(core_axis_name="c", subcore_axis_name="s")


def _rsqrt(x):
    i = plsc.bitcast(x, jnp.int32)
    i = jnp.int32(0x5F3759DF) - lax.shift_right_arithmetic(i, 1)
    y = plsc.bitcast(i, jnp.float32)
    for _ in range(3):
        y = y * (1.5 - 0.5 * x * y * y)
    return y


@functools.partial(
    pl.kernel,
    out_type=[
        jax.ShapeDtypeStruct((M_TETS,), jnp.float32),
        jax.ShapeDtypeStruct((M_TETS,), jnp.float32),
        jax.ShapeDtypeStruct((2 * T_PAD,), jnp.float32),
        jax.ShapeDtypeStruct((4 * M_TETS,), jnp.float32),
        jax.ShapeDtypeStruct((4 * M_TETS,), jnp.float32),
    ],
    mesh=_mesh,
    compiler_params=pltpu.CompilerParams(needs_layout_passes=False),
    scratch_types=[
        pltpu.VMEM((T_PAD,), jnp.float32),
        pltpu.VMEM((2 * RPB, 128), jnp.int32),
        pltpu.VMEM((2 * FB,), jnp.float32),
        pltpu.VMEM((2 * FB,), jnp.float32),
        pltpu.VMEM((2 * B,), jnp.float32),
        pltpu.VMEM((2 * B,), jnp.float32),
        pltpu.VMEM((2 * B,), jnp.float32),
        pltpu.VMEM((HALF,), jnp.float32),
        pltpu.VMEM((HALF,), jnp.float32),
        pltpu.VMEM_SHARED((16 * HALF,), jnp.float32),
        pltpu.SemaphoreType.DMA,
        pltpu.SemaphoreType.DMA,
    ],
)
def _sc_tets(vpl_hbm, idxr_hbm, dens_hbm, vol_hbm, alpha_hbm, part_hbm,
             xg_hbm, yg_hbm,
             big_v, idx_v, bufx_v, bufy_v, dens_v, vol_v, al_v,
             acc_v, tin_v, stage, sem_in, sem_out):
    cid = lax.axis_index("c")
    sid = lax.axis_index("s")
    wid = sid * 2 + cid

    def blk_of(i):
        return wid + i * NW

    def _in_pairs(i, want_dens, want_xy):
        blk = blk_of(i)
        par = jnp.bitwise_and(i, 1)
        pairs = [(idxr_hbm.at[pl.ds(blk * RPB, RPB)], idx_v.at[pl.ds(par * RPB, RPB)])]
        if want_dens:
            pairs.append((dens_hbm.at[pl.ds(blk * B, B)], dens_v.at[pl.ds(par * B, B)]))
        if want_xy:
            pairs.append((xg_hbm.at[pl.ds(blk * FB, FB)], bufx_v.at[pl.ds(par * FB, FB)]))
            pairs.append((yg_hbm.at[pl.ds(blk * FB, FB)], bufy_v.at[pl.ds(par * FB, FB)]))
        return pairs

    def issue_in(i, want_dens=False, want_xy=False):
        @pl.when(blk_of(i) < NBLK)
        def _():
            for s, d in _in_pairs(i, want_dens, want_xy):
                pltpu.async_copy(s, d, sem_in)

    def drain_in(i, want_dens=False, want_xy=False):
        for s, d in _in_pairs(i, want_dens, want_xy):
            pltpu.make_async_copy(s, d, sem_in).wait()

    for p in range(2):
        pltpu.sync_copy(vpl_hbm.at[pl.ds(p * N_V, N_V)], big_v.at[pl.ds(0, N_V)])
        og_hbm = (xg_hbm, yg_hbm)[p]
        ob_v = (bufx_v, bufy_v)[p]

        def _out_pair(i):
            blk = blk_of(i)
            par = jnp.bitwise_and(i, 1)
            return ob_v.at[pl.ds(par * FB, FB)], og_hbm.at[pl.ds(blk * FB, FB)]

        def _drain_out(i):
            s, d = _out_pair(i)
            pltpu.make_async_copy(s, d, sem_out).wait()

        issue_in(0)

        def _block(i, _):
            blk = blk_of(i)
            par = jnp.bitwise_and(i, 1)
            issue_in(i + 1)

            @pl.when(blk < NBLK)
            def _():
                drain_in(i)

                @pl.when(i >= 2)
                def _():
                    _drain_out(i - 2)

                def _group(g, _):
                    row = par * RPB + lax.shift_right_logical(g, 3) * 4
                    col = jnp.bitwise_and(g, 7) * 16
                    pbase = par * FB + lax.shift_right_logical(g, 3) * 512 + jnp.bitwise_and(g, 7) * 16
                    for c in range(4):
                        vid = idx_v[row + c, pl.ds(col, 16)]
                        val = plsc.load_gather(big_v, [vid])
                        ob_v[pl.ds(pbase + c * 128, 16)] = val
                    return 0

                lax.fori_loop(0, GPB, _group, 0)
                s, d = _out_pair(i)
                pltpu.async_copy(s, d, sem_out)
            return 0

        with jax.named_scope("pass_gather"):
            lax.fori_loop(0, ITERS_W, _block, 0)
        for it in (ITERS_W - 3, ITERS_W - 2, ITERS_W - 1):
            @pl.when((blk_of(it) < NBLK) & (blk_of(it + 2) >= NBLK))
            def _():
                _drain_out(it)

    pltpu.sync_copy(vpl_hbm.at[pl.ds(2 * N_V, N_V)], big_v.at[pl.ds(0, N_V)])

    def _zout_pairs(i):
        blk = blk_of(i)
        par = jnp.bitwise_and(i, 1)
        return [
            (vol_v.at[pl.ds(par * B, B)], vol_hbm.at[pl.ds(blk * B, B)]),
            (al_v.at[pl.ds(par * B, B)], alpha_hbm.at[pl.ds(blk * B, B)]),
        ]

    def _zdrain_out(i):
        for s, d in _zout_pairs(i):
            pltpu.make_async_copy(s, d, sem_out).wait()

    issue_in(0, want_dens=True, want_xy=True)

    def _zblock(i, _):
        blk = blk_of(i)
        par = jnp.bitwise_and(i, 1)
        issue_in(i + 1, want_dens=True, want_xy=True)

        @pl.when(blk < NBLK)
        def _():
            drain_in(i, want_dens=True, want_xy=True)

            @pl.when(i >= 2)
            def _():
                _zdrain_out(i - 2)

            def _group(g, _):
                xs, ys, zs = [], [], []
                row = par * RPB + lax.shift_right_logical(g, 3) * 4
                col = jnp.bitwise_and(g, 7) * 16
                pbase = par * FB + lax.shift_right_logical(g, 3) * 512 + jnp.bitwise_and(g, 7) * 16
                for c in range(4):
                    sl = pl.ds(pbase + c * 128, 16)
                    xs.append(bufx_v[sl])
                    ys.append(bufy_v[sl])
                    vid = idx_v[row + c, pl.ds(col, 16)]
                    zs.append(plsc.load_gather(big_v, [vid]))
                e1 = (xs[1] - xs[0], ys[1] - ys[0], zs[1] - zs[0])
                e2 = (xs[2] - xs[0], ys[2] - ys[0], zs[2] - zs[0])
                e3 = (xs[3] - xs[0], ys[3] - ys[0], zs[3] - zs[0])
                det = (
                    e1[0] * (e2[1] * e3[2] - e2[2] * e3[1])
                    - e1[1] * (e2[0] * e3[2] - e2[2] * e3[0])
                    + e1[2] * (e2[0] * e3[1] - e2[1] * e3[0])
                )
                vol_v[pl.ds(par * B + g * 16, 16)] = jnp.abs(det) * (1.0 / 6.0)

                def n2(v):
                    return v[0] * v[0] + v[1] * v[1] + v[2] * v[2]
                e12 = tuple(e2[k] - e1[k] for k in range(3))
                e13 = tuple(e3[k] - e1[k] for k in range(3))
                e23 = tuple(e3[k] - e2[k] for k in range(3))
                d2 = jnp.minimum(
                    jnp.minimum(jnp.minimum(n2(e1), n2(e2)),
                                jnp.minimum(n2(e3), n2(e12))),
                    jnp.minimum(n2(e13), n2(e23)),
                )
                d2 = jnp.maximum(d2, 1e-24)
                el = d2 * _rsqrt(d2)
                d16 = dens_v[pl.ds(par * B + g * 16, 16)]
                al_v[pl.ds(par * B + g * 16, 16)] = 1.0 - jnp.exp(-d16 * el)
                return 0

            lax.fori_loop(0, GPB, _group, 0)
            for s, d in _zout_pairs(i):
                pltpu.async_copy(s, d, sem_out)
        return 0

    with jax.named_scope("pass_z"):
        lax.fori_loop(0, ITERS_W, _zblock, 0)
    for it in (ITERS_W - 3, ITERS_W - 2, ITERS_W - 1):
        @pl.when((blk_of(it) < NBLK) & (blk_of(it + 2) >= NBLK))
        def _():
            _zdrain_out(it)

    zero16 = jnp.zeros((16,), jnp.float32)

    def _init(i, _):
        big_v[pl.ds(i * 16, 16)] = zero16
        return 0
    lax.fori_loop(0, T_PAD // 16, _init, 0)

    issue_in(0, want_dens=True)

    def _sblock(i, _):
        blk = blk_of(i)
        par = jnp.bitwise_and(i, 1)
        issue_in(i + 1, want_dens=True)

        @pl.when(blk < NBLK)
        def _():
            drain_in(i, want_dens=True)

            def _group(g, _):
                d16 = dens_v[pl.ds(par * B + g * 16, 16)]
                row = par * RPB + lax.shift_right_logical(g, 3) * 4
                col = jnp.bitwise_and(g, 7) * 16
                for c in range(4):
                    idx16 = idx_v[row + c, pl.ds(col, 16)]
                    got = plsc.load_gather(big_v, [idx16])

                    def cond(mask):
                        return jnp.any(mask)

                    def body(mask):
                        plsc.store_scatter(big_v, [idx16], d16, mask=mask)
                        now = plsc.load_gather(big_v, [idx16])
                        return d16 > now

                    lax.while_loop(cond, body, d16 > got)
                return 0

            lax.fori_loop(0, GPB, _group, 0)
        return 0

    with jax.named_scope("pass_scatter"):
        lax.fori_loop(0, ITERS_W, _sblock, 0)

    for h in range(2):
        def _zacc(v, _):
            acc_v[pl.ds(v * 16, 16)] = zero16
            return 0
        lax.fori_loop(0, HALF // 16, _zacc, 0)

        def _round(r, _):
            dst = jnp.bitwise_and(sid + r, 15)
            pltpu.sync_copy(
                big_v.at[pl.ds(dst * STRIPE + h * HALF, HALF)],
                stage.at[pl.ds(dst * HALF, HALF)],
            )
            plsc.subcore_barrier()
            pltpu.sync_copy(stage.at[pl.ds(sid * HALF, HALF)], tin_v)

            def _red_v(v, _):
                sl = pl.ds(v * 16, 16)
                acc_v[sl] = jnp.maximum(acc_v[sl], tin_v[sl])
                return 0
            lax.fori_loop(0, HALF // 16, _red_v, 0)
            plsc.subcore_barrier()
            return 0

        with jax.named_scope("reduce"):
            lax.fori_loop(0, 16, _round, 0)
        pltpu.sync_copy(
            acc_v, part_hbm.at[pl.ds(cid * T_PAD + sid * STRIPE + h * HALF, HALF)]
        )


def _combine(a_ref, o_ref):
    o_ref[...] = jnp.maximum(a_ref[0], a_ref[1])


def kernel(vertices, indices, tet_density):
    vpl = vertices.T.reshape(-1)
    idxr = indices.reshape(KT, 128, 4).transpose(0, 2, 1).reshape(4 * KT, 128)
    vol, alpha, part, _, _ = _sc_tets(vpl, idxr, tet_density)

    part3 = part.reshape(2, 8, T_PAD // 8)
    vd = pl.pallas_call(
        _combine,
        out_shape=jax.ShapeDtypeStruct((8, T_PAD // 8), jnp.float32),
    )(part3)
    vertex_density = vd.reshape(T_PAD)[:N_V]
    return (vol, alpha, vertex_density)

# --- scband reference (transcript-rebuilt; emitter-appended) ---
"""Pipeline reference for scband-base-model-6133213299477 (READ-ONLY COPY).

The authoritative reference and input builder live on the scoring server;
editing this copy changes nothing except your own understanding.
"""

import jax, jax.numpy as jnp
import numpy as np

N_VERTS = 100000
N_TETS = 3200000

def setup_inputs(seed: int = 0) -> dict:
    key = jax.random.key(seed)
    k1, k2, k3 = jax.random.split(key, 3)
    vertices = jax.random.normal(k1, (N_VERTS, 3), dtype=jnp.float32)
    indices = jax.random.randint(k2, (N_TETS, 4), 0, N_VERTS, dtype=jnp.int32)
    tet_density = jax.random.uniform(k3, (N_TETS,), dtype=jnp.float32)
    return {"vertices": vertices, "indices": indices, "tet_density": tet_density}

def reference(vertices, indices, tet_density):
    # gather tet corner vertices: [M, 4, 3]
    tets = jnp.take(vertices, indices, axis=0)
    v0, v1, v2, v3 = tets[:, 0], tets[:, 1], tets[:, 2], tets[:, 3]

    # calc_tet_area: |det([v1-v0, v2-v0, v3-v0])| / 6
    mat = jnp.stack([v1 - v0, v2 - v0, v3 - v0], axis=-1)
    tet_vol = jnp.abs(jnp.linalg.det(mat)) / 6.0

    # calc_tet_alpha (mode='min', density given):
    edge_lengths = jnp.stack([
        jnp.linalg.norm(v0 - v1, axis=1),
        jnp.linalg.norm(v0 - v2, axis=1),
        jnp.linalg.norm(v0 - v3, axis=1),
        jnp.linalg.norm(v1 - v2, axis=1),
        jnp.linalg.norm(v1 - v3, axis=1),
        jnp.linalg.norm(v2 - v3, axis=1),
    ], axis=0)
    el = edge_lengths.min(axis=0)
    alpha = 1.0 - jnp.exp(-tet_density.reshape(-1) * el.reshape(-1))

    # calc_vert_density: scatter_reduce amax of per-tet density onto the 4 corner vertices
    # (torch scatter_reduce_ with include_self=True over a zeros buffer == max with 0)
    vertex_density = jnp.zeros((vertices.shape[0],), dtype=vertices.dtype)
    for i in range(4):
        vertex_density = vertex_density.at[indices[:, i]].max(tet_density)

    return (tet_vol, alpha, vertex_density)

if __name__ == "__main__":
    import jax
    _d = setup_inputs()
    print(jax.jit(kernel)(*tuple(_d.values())))

</pallas_src>

<mosaic_0001>
#map = affine_map<(d0, d1) -> (0)>
#map1 = affine_map<(d0, d1) -> (0, 0)>
module attributes {stable_mosaic.version = 14 : i64} {
  func.func @_sc_tets(%arg0: i32, %arg1: i32, %arg2: memref<300000xf32, #tpu.memory_space<hbm>>, %arg3: memref<100000x128xi32, #tpu.memory_space<hbm>>, %arg4: memref<3200000xf32, #tpu.memory_space<hbm>>, %arg5: memref<3200000xf32, #tpu.memory_space<hbm>>, %arg6: memref<3200000xf32, #tpu.memory_space<hbm>>, %arg7: memref<200704xf32, #tpu.memory_space<hbm>>, %arg8: memref<12800000xf32, #tpu.memory_space<hbm>>, %arg9: memref<12800000xf32, #tpu.memory_space<hbm>>, %arg10: memref<100352xf32, #tpu.memory_space<vmem>>, %arg11: memref<32x128xi32, #tpu.memory_space<vmem>>, %arg12: memref<4096xf32, #tpu.memory_space<vmem>>, %arg13: memref<4096xf32, #tpu.memory_space<vmem>>, %arg14: memref<1024xf32, #tpu.memory_space<vmem>>, %arg15: memref<1024xf32, #tpu.memory_space<vmem>>, %arg16: memref<1024xf32, #tpu.memory_space<vmem>>, %arg17: memref<3136xf32, #tpu.memory_space<vmem>>, %arg18: memref<3136xf32, #tpu.memory_space<vmem>>, %arg19: memref<50176xf32, #tpu.memory_space<vmem_shared>>, %arg20: memref<!tpu.dma_semaphore, #tpu.memory_space<semaphore_mem>>, %arg21: memref<!tpu.dma_semaphore, #tpu.memory_space<semaphore_mem>>) attributes {dimension_semantics = [#tpu.dimension_semantics<core_parallel>, #tpu.dimension_semantics<subcore_parallel>], iteration_bounds = array<i64: 2, 16>, scalar_prefetch = 0 : i64, scratch_operands = 12 : i64, tpu.core_type = #tpu.core_type<sc_vector_subcore>, window_params = [{transform_indices = #map}, {transform_indices = #map1}, {transform_indices = #map}, {transform_indices = #map}, {transform_indices = #map}, {transform_indices = #map}, {transform_indices = #map}, {transform_indices = #map}]} {
    %mul3A = arith.constant 2 : i32
    %mul3A_0 = arith.muli %arg1, %mul3A : i32
    %add3A = arith.addi %mul3A_0, %arg0 : i32
    "tpu.region"() ({
      %run_scoped3A = tpu.sem_alloc : memref<!tpu.dma_semaphore, #tpu.memory_space<semaphore_mem>>
      %dma_start3A = arith.constant 0 : i32
      %dma_start3A_209 = tpu.memref_slice %arg10[%dma_start3A] : memref<100352xf32, #tpu.memory_space<vmem>> -> memref<100000xf32, #tpu.memory_space<vmem>>
      %dma_start3A_210 = arith.constant 0 : i32
      %dma_start3A_211 = tpu.memref_slice %arg2[%dma_start3A_210] : memref<300000xf32, #tpu.memory_space<hbm>> -> memref<100000xf32, #tpu.memory_space<hbm>>
      %dma_start3A_212 = arith.constant 0 : i32
      %dma_start3A_213 = tpu.memref_slice %arg10[%dma_start3A_212] : memref<100352xf32, #tpu.memory_space<vmem>> -> memref<100000xf32, #tpu.memory_space<vmem>>
      %dma_start3A_214 = arith.constant 0 : i32
      %dma_start3A_215 = tpu.memref_slice %arg2[%dma_start3A_214] : memref<300000xf32, #tpu.memory_space<hbm>> -> memref<100000xf32, #tpu.memory_space<hbm>>
      tpu.enqueue_dma source(%dma_start3A_215 : memref<100000xf32, #tpu.memory_space<hbm>>) target(%dma_start3A_213 : memref<100000xf32, #tpu.memory_space<vmem>>) target_semaphore(%run_scoped3A : memref<!tpu.dma_semaphore, #tpu.memory_space<semaphore_mem>>)
      %dma_wait3A = arith.constant 0 : i32
      %dma_wait3A_216 = tpu.memref_slice %arg10[%dma_wait3A] : memref<100352xf32, #tpu.memory_space<vmem>> -> memref<100000xf32, #tpu.memory_space<vmem>>
      %dma_wait3A_217 = arith.constant 0 : i32
      %dma_wait3A_218 = tpu.memref_slice %arg2[%dma_wait3A_217] : memref<300000xf32, #tpu.memory_space<hbm>> -> memref<100000xf32, #tpu.memory_space<hbm>>
      %dma_wait3A_219 = arith.constant 0 : i32
      %dma_wait3A_220 = tpu.memref_slice %arg10[%dma_wait3A_219] : memref<100352xf32, #tpu.memory_space<vmem>> -> memref<100000xf32, #tpu.memory_space<vmem>>
      %dma_wait3A_221 = arith.constant 0 : i32
      %dma_wait3A_222 = tpu.memref_slice %arg2[%dma_wait3A_221] : memref<300000xf32, #tpu.memory_space<hbm>> -> memref<100000xf32, #tpu.memory_space<hbm>>
      tpu.wait_dma2 semaphore(%run_scoped3A : memref<!tpu.dma_semaphore, #tpu.memory_space<semaphore_mem>>) src(%dma_wait3A_222 : memref<100000xf32, #tpu.memory_space<hbm>>) dst(%dma_wait3A_220 : memref<100000xf32, #tpu.memory_space<vmem>>)
      tpu.yield
    }) : () -> ()
    %add3A_1 = arith.constant 0 : i32
    %add3A_2 = arith.addi %add3A, %add3A_1 : i32
    %lt3A = arith.constant 6250 : i32
    %lt3A_3 = arith.cmpi slt, %add3A_2, %lt3A : i32
    %convert_element_type3A = arith.extui %lt3A_3 : i1 to i32
    %cond3A = arith.constant 0 : i32
    %cond3A_4 = arith.cmpi ne, %convert_element_type3A, %cond3A : i32
    scf.if %cond3A_4 {
      %add3A_209 = arith.constant 0 : i32
      %add3A_210 = arith.addi %add3A, %add3A_209 : i32
      %and3A_211 = arith.constant 0 : i32
      %and3A_212 = arith.constant 1 : i32
      %and3A_213 = arith.andi %and3A_211, %and3A_212 : i32
      %mul3A_214 = arith.constant 16 : i32
      %mul3A_215 = arith.muli %add3A_210, %mul3A_214 : i32
      %mul3A_216 = arith.constant 16 : i32
      %mul3A_217 = arith.muli %and3A_213, %mul3A_216 : i32
      %dma_start3A = arith.constant 0 : i32
      %dma_start3A_218 = tpu.memref_slice %arg11[%mul3A_217, %dma_start3A] : memref<32x128xi32, #tpu.memory_space<vmem>> -> memref<16x128xi32, #tpu.memory_space<vmem>>
      %dma_start3A_219 = arith.constant 0 : i32
      %dma_start3A_220 = tpu.memref_slice %arg3[%mul3A_215, %dma_start3A_219] : memref<100000x128xi32, #tpu.memory_space<hbm>> -> memref<16x128xi32, #tpu.memory_space<hbm>>
      %dma_start3A_221 = arith.constant 0 : i32
      %dma_start3A_222 = tpu.memref_slice %arg11[%mul3A_217, %dma_start3A_221] : memref<32x128xi32, #tpu.memory_space<vmem>> -> memref<16x128xi32, #tpu.memory_space<vmem>>
      %dma_start3A_223 = arith.constant 0 : i32
      %dma_start3A_224 = tpu.memref_slice %arg3[%mul3A_215, %dma_start3A_223] : memref<100000x128xi32, #tpu.memory_space<hbm>> -> memref<16x128xi32, #tpu.memory_space<hbm>>
      tpu.enqueue_dma source(%dma_start3A_224 : memref<16x128xi32, #tpu.memory_space<hbm>>) target(%dma_start3A_222 : memref<16x128xi32, #tpu.memory_space<vmem>>) target_semaphore(%arg20 : memref<!tpu.dma_semaphore, #tpu.memory_space<semaphore_mem>>)
    } else {
    }
    "tpu.trace_start"() <{level = 10 : i32, message = "pass_gather"}> : () -> ()
    %scan3A = arith.constant 0 : i32
    %scan3A_5 = arith.constant 0 : i32
    %scan3A_6 = arith.constant 196 : i32
    %scan3A_7 = arith.addi %scan3A_5, %scan3A_6 : i32
    %scan3A_8 = arith.constant 1 : i32
    %scan3A_9 = scf.for %scan3A_209 = %scan3A_5 to %scan3A_7 step %scan3A_8 iter_args(%scan3A_210 = %scan3A) -> (i32)  : i32 {
      %mul3A_211 = arith.constant 32 : i32
      %mul3A_212 = arith.muli %scan3A_209, %mul3A_211 : i32
      %add3A_213 = arith.addi %add3A, %mul3A_212 : i32
      %and3A_214 = arith.constant 1 : i32
      %and3A_215 = arith.andi %scan3A_209, %and3A_214 : i32
      %add3A_216 = arith.constant 1 : i32
      %add3A_217 = arith.addi %scan3A_209, %add3A_216 : i32
      %mul3A_218 = arith.constant 32 : i32
      %mul3A_219 = arith.muli %add3A_217, %mul3A_218 : i32
      %add3A_220 = arith.addi %add3A, %mul3A_219 : i32
      %lt3A_221 = arith.constant 6250 : i32
      %lt3A_222 = arith.cmpi slt, %add3A_220, %lt3A_221 : i32
      %convert_element_type3A_223 = arith.extui %lt3A_222 : i1 to i32
      %cond3A_224 = arith.constant 0 : i32
      %cond3A_225 = arith.cmpi ne, %convert_element_type3A_223, %cond3A_224 : i32
      scf.if %cond3A_225 {
        %mul3A_232 = arith.constant 32 : i32
        %mul3A_233 = arith.muli %add3A_217, %mul3A_232 : i32
        %add3A_234 = arith.addi %add3A, %mul3A_233 : i32
        %and3A_235 = arith.constant 1 : i32
        %and3A_236 = arith.andi %add3A_217, %and3A_235 : i32
        %mul3A_237 = arith.constant 16 : i32
        %mul3A_238 = arith.muli %add3A_234, %mul3A_237 : i32
        %mul3A_239 = arith.constant 16 : i32
        %mul3A_240 = arith.muli %and3A_236, %mul3A_239 : i32
        %dma_start3A = arith.constant 0 : i32
        %dma_start3A_241 = tpu.memref_slice %arg11[%mul3A_240, %dma_start3A] : memref<32x128xi32, #tpu.memory_space<vmem>> -> memref<16x128xi32, #tpu.memory_space<vmem>>
        %dma_start3A_242 = arith.constant 0 : i32
        %dma_start3A_243 = tpu.memref_slice %arg3[%mul3A_238, %dma_start3A_242] : memref<100000x128xi32, #tpu.memory_space<hbm>> -> memref<16x128xi32, #tpu.memory_space<hbm>>
        %dma_start3A_244 = arith.constant 0 : i32
        %dma_start3A_245 = tpu.memref_slice %arg11[%mul3A_240, %dma_start3A_244] : memref<32x128xi32, #tpu.memory_space<vmem>> -> memref<16x128xi32, #tpu.memory_space<vmem>>
        %dma_start3A_246 = arith.constant 0 : i32
        %dma_start3A_247 = tpu.memref_slice %arg3[%mul3A_238, %dma_start3A_246] : memref<100000x128xi32, #tpu.memory_space<hbm>> -> memref<16x128xi32, #tpu.memory_space<hbm>>
        tpu.enqueue_dma source(%dma_start3A_247 : memref<16x128xi32, #tpu.memory_space<hbm>>) target(%dma_start3A_245 : memref<16x128xi32, #tpu.memory_space<vmem>>) target_semaphore(%arg20 : memref<!tpu.dma_semaphore, #tpu.memory_space<semaphore_mem>>)
      } else {
      }
      %lt3A_226 = arith.constant 6250 : i32
      %lt3A_227 = arith.cmpi slt, %add3A_213, %lt3A_226 : i32
      %convert_element_type3A_228 = arith.extui %lt3A_227 : i1 to i32
      %cond3A_229 = arith.constant 0 : i32
      %cond3A_230 = arith.cmpi ne, %convert_element_type3A_228, %cond3A_229 : i32
      scf.if %cond3A_230 {
        %mul3A_232 = arith.constant 32 : i32
        %mul3A_233 = arith.muli %scan3A_209, %mul3A_232 : i32
        %add3A_234 = arith.addi %add3A, %mul3A_233 : i32
        %and3A_235 = arith.constant 1 : i32
        %and3A_236 = arith.andi %scan3A_209, %and3A_235 : i32
        %mul3A_237 = arith.constant 16 : i32
        %mul3A_238 = arith.muli %add3A_234, %mul3A_237 : i32
        %mul3A_239 = arith.constant 16 : i32
        %mul3A_240 = arith.muli %and3A_236, %mul3A_239 : i32
        %dma_wait3A = arith.constant 0 : i32
        %dma_wait3A_241 = tpu.memref_slice %arg11[%mul3A_240, %dma_wait3A] : memref<32x128xi32, #tpu.memory_space<vmem>> -> memref<16x128xi32, #tpu.memory_space<vmem>>
        %dma_wait3A_242 = arith.constant 0 : i32
        %dma_wait3A_243 = tpu.memref_slice %arg3[%mul3A_238, %dma_wait3A_242] : memref<100000x128xi32, #tpu.memory_space<hbm>> -> memref<16x128xi32, #tpu.memory_space<hbm>>
        %dma_wait3A_244 = arith.constant 0 : i32
        %dma_wait3A_245 = tpu.memref_slice %arg11[%mul3A_240, %dma_wait3A_244] : memref<32x128xi32, #tpu.memory_space<vmem>> -> memref<16x128xi32, #tpu.memory_space<vmem>>
        %dma_wait3A_246 = arith.constant 0 : i32
        %dma_wait3A_247 = tpu.memref_slice %arg3[%mul3A_238, %dma_wait3A_246] : memref<100000x128xi32, #tpu.memory_space<hbm>> -> memref<16x128xi32, #tpu.memory_space<hbm>>
        tpu.wait_dma2 semaphore(%arg20 : memref<!tpu.dma_semaphore, #tpu.memory_space<semaphore_mem>>) src(%dma_wait3A_247 : memref<16x128xi32, #tpu.memory_space<hbm>>) dst(%dma_wait3A_245 : memref<16x128xi32, #tpu.memory_space<vmem>>)
        %ge3A_248 = arith.constant 2 : i32
        %ge3A_249 = arith.cmpi sge, %scan3A_209, %ge3A_248 : i32
        %convert_element_type3A_250 = arith.extui %ge3A_249 : i1 to i32
        %cond3A_251 = arith.constant 0 : i32
        %cond3A_252 = arith.cmpi ne, %convert_element_type3A_250, %cond3A_251 : i32
        scf.if %cond3A_252 {
          %sub3A = arith.constant 2 : i32
          %sub3A_272 = arith.subi %scan3A_209, %sub3A : i32
          %mul3A_273 = arith.constant 32 : i32
          %mul3A_274 = arith.muli %sub3A_272, %mul3A_273 : i32
          %add3A_275 = arith.addi %add3A, %mul3A_274 : i32
          %and3A_276 = arith.constant 1 : i32
          %and3A_277 = arith.andi %sub3A_272, %and3A_276 : i32
          %mul3A_278 = arith.constant 2048 : i32
          %mul3A_279 = arith.muli %and3A_277, %mul3A_278 : i32
          %mul3A_280 = arith.constant 2048 : i32
          %mul3A_281 = arith.muli %add3A_275, %mul3A_280 : i32
          %dma_wait3A_282 = tpu.memref_slice %arg12[%mul3A_279] : memref<4096xf32, #tpu.memory_space<vmem>> -> memref<2048xf32, #tpu.memory_space<vmem>>
          %dma_wait3A_283 = tpu.memref_slice %arg8[%mul3A_281] : memref<12800000xf32, #tpu.memory_space<hbm>> -> memref<2048xf32, #tpu.memory_space<hbm>>
          %dma_wait3A_284 = tpu.memref_slice %arg8[%mul3A_281] : memref<12800000xf32, #tpu.memory_space<hbm>> -> memref<2048xf32, #tpu.memory_space<hbm>>
          %dma_wait3A_285 = tpu.memref_slice %arg12[%mul3A_279] : memref<4096xf32, #tpu.memory_space<vmem>> -> memref<2048xf32, #tpu.memory_space<vmem>>
          tpu.wait_dma2 semaphore(%arg21 : memref<!tpu.dma_semaphore, #tpu.memory_space<semaphore_mem>>) src(%dma_wait3A_285 : memref<2048xf32, #tpu.memory_space<vmem>>) dst(%dma_wait3A_284 : memref<2048xf32, #tpu.memory_space<hbm>>)
        } else {
        }
        %scan3A_253 = arith.constant 0 : i32
        %scan3A_254 = arith.constant 0 : i32
        %scan3A_255 = arith.constant 32 : i32
        %scan3A_256 = arith.addi %scan3A_254, %scan3A_255 : i32
        %scan3A_257 = arith.constant 1 : i32
        %scan3A_258 = scf.for %scan3A_272 = %scan3A_254 to %scan3A_256 step %scan3A_257 iter_args(%scan3A_273 = %scan3A_253) -> (i32)  : i32 {
          %mul3A_274 = arith.constant 16 : i32
          %mul3A_275 = arith.muli %and3A_215, %mul3A_274 : i32
          %shift_right_logical3A = arith.constant 3 : i32
          %shift_right_logical3A_276 = arith.shrui %scan3A_272, %shift_right_logical3A : i32
          %mul3A_277 = arith.constant 4 : i32
          %mul3A_278 = arith.muli %shift_right_logical3A_276, %mul3A_277 : i32
          %add3A_279 = arith.addi %mul3A_275, %mul3A_278 : i32
          %and3A_280 = arith.constant 7 : i32
          %and3A_281 = arith.andi %scan3A_272, %and3A_280 : i32
          %mul3A_282 = arith.constant 16 : i32
          %mul3A_283 = arith.muli %and3A_281, %mul3A_282 : i32
          %mul3A_284 = arith.constant 2048 : i32
          %mul3A_285 = arith.muli %and3A_215, %mul3A_284 : i32
          %shift_right_logical3A_286 = arith.constant 3 : i32
          %shift_right_logical3A_287 = arith.shrui %scan3A_272, %shift_right_logical3A_286 : i32
          %mul3A_288 = arith.constant 512 : i32
          %mul3A_289 = arith.muli %shift_right_logical3A_287, %mul3A_288 : i32
          %add3A_290 = arith.addi %mul3A_285, %mul3A_289 : i32
          %and3A_291 = arith.constant 7 : i32
          %and3A_292 = arith.andi %scan3A_272, %and3A_291 : i32
          %mul3A_293 = arith.constant 16 : i32
          %mul3A_294 = arith.muli %and3A_292, %mul3A_293 : i32
          %add3A_295 = arith.addi %add3A_290, %mul3A_294 : i32
          %add3A_296 = arith.constant 0 : i32
          %add3A_297 = arith.addi %add3A_279, %add3A_296 : i32
          %get3A = arith.index_cast %add3A_297 : i32 to index
          %get3A_298 = arith.index_cast %mul3A_283 : i32 to index
          %get3A_299 = tpu.vector_load %arg11[%get3A, %get3A_298] {strides = array<i32>} : memref<32x128xi32, #tpu.memory_space<vmem>>, vector<16xi32>,
          %gather3A = tpu.vector_load_idx %arg10[%get3A_299] : memref<100352xf32, #tpu.memory_space<vmem>>[vector<16xi32>], vector<16xf32>,
          %add3A_300 = arith.constant 0 : i32
          %add3A_301 = arith.addi %add3A_295, %add3A_300 : i32
          %swap3A = arith.index_cast %add3A_301 : i32 to index
          %swap3A_302 = tpu.vector_load %arg12[%swap3A] {strides = array<i32>} : memref<4096xf32, #tpu.memory_space<vmem>>, vector<16xf32>,
          tpu.vector_store %arg12[%swap3A], %gather3A {strides = array<i32>} : memref<4096xf32, #tpu.memory_space<vmem>>, vector<16xf32>,
          %add3A_303 = arith.constant 1 : i32
          %add3A_304 = arith.addi %add3A_279, %add3A_303 : i32
          %get3A_305 = arith.index_cast %add3A_304 : i32 to index
          %get3A_306 = arith.index_cast %mul3A_283 : i32 to index
          %get3A_307 = tpu.vector_load %arg11[%get3A_305, %get3A_306] {strides = array<i32>} : memref<32x128xi32, #tpu.memory_space<vmem>>, vector<16xi32>,
          %gather3A_308 = tpu.vector_load_idx %arg10[%get3A_307] : memref<100352xf32, #tpu.memory_space<vmem>>[vector<16xi32>], vector<16xf32>,
          %add3A_309 = arith.constant 128 : i32
          %add3A_310 = arith.addi %add3A_295, %add3A_309 : i32
          %swap3A_311 = arith.index_cast %add3A_310 : i32 to index
          %swap3A_312 = tpu.vector_load %arg12[%swap3A_311] {strides = array<i32>} : memref<4096xf32, #tpu.memory_space<vmem>>, vector<16xf32>,
          tpu.vector_store %arg12[%swap3A_311], %gather3A_308 {strides = array<i32>} : memref<4096xf32, #tpu.memory_space<vmem>>, vector<16xf32>,
          %add3A_313 = arith.constant 2 : i32
          %add3A_314 = arith.addi %add3A_279, %add3A_313 : i32
          %get3A_315 = arith.index_cast %add3A_314 : i32 to index
          %get3A_316 = arith.index_cast %mul3A_283 : i32 to index
          %get3A_317 = tpu.vector_load %arg11[%get3A_315, %get3A_316] {strides = array<i32>} : memref<32x128xi32, #tpu.memory_space<vmem>>, vector<16xi32>,
          %gather3A_318 = tpu.vector_load_idx %arg10[%get3A_317] : memref<100352xf32, #tpu.memory_space<vmem>>[vector<16xi32>], vector<16xf32>,
          %add3A_319 = arith.constant 256 : i32
          %add3A_320 = arith.addi %add3A_295, %add3A_319 : i32
          %swap3A_321 = arith.index_cast %add3A_320 : i32 to index
          %swap3A_322 = tpu.vector_load %arg12[%swap3A_321] {strides = array<i32>} : memref<4096xf32, #tpu.memory_space<vmem>>, vector<16xf32>,
          tpu.vector_store %arg12[%swap3A_321], %gather3A_318 {strides = array<i32>} : memref<4096xf32, #tpu.memory_space<vmem>>, vector<16xf32>,
          %add3A_323 = arith.constant 3 : i32
          %add3A_324 = arith.addi %add3A_279, %add3A_323 : i32
          %get3A_325 = arith.index_cast %add3A_324 : i32 to index
          %get3A_326 = arith.index_cast %mul3A_283 : i32 to index
          %get3A_327 = tpu.vector_load %arg11[%get3A_325, %get3A_326] {strides = array<i32>} : memref<32x128xi32, #tpu.memory_space<vmem>>, vector<16xi32>,
          %gather3A_328 = tpu.vector_load_idx %arg10[%get3A_327] : memref<100352xf32, #tpu.memory_space<vmem>>[vector<16xi32>], vector<16xf32>,
          %add3A_329 = arith.constant 384 : i32
          %add3A_330 = arith.addi %add3A_295, %add3A_329 : i32
          %swap3A_331 = arith.index_cast %add3A_330 : i32 to index
          %swap3A_332 = tpu.vector_load %arg12[%swap3A_331] {strides = array<i32>} : memref<4096xf32, #tpu.memory_space<vmem>>, vector<16xf32>,
          tpu.vector_store %arg12[%swap3A_331], %gather3A_328 {strides = array<i32>} : memref<4096xf32, #tpu.memory_space<vmem>>, vector<16xf32>,
          %scan3A_333 = arith.constant 0 : i32
          scf.yield %scan3A_333 : i32
        }
        %scan3A_259 = arith.constant 32 : i32
        %mul3A_260 = arith.constant 32 : i32
        %mul3A_261 = arith.muli %scan3A_209, %mul3A_260 : i32
        %add3A_262 = arith.addi %add3A, %mul3A_261 : i32
        %and3A_263 = arith.constant 1 : i32
        %and3A_264 = arith.andi %scan3A_209, %and3A_263 : i32
        %mul3A_265 = arith.constant 2048 : i32
        %mul3A_266 = arith.muli %and3A_264, %mul3A_265 : i32
        %mul3A_267 = arith.constant 2048 : i32
        %mul3A_268 = arith.muli %add3A_262, %mul3A_267 : i32
        %dma_start3A = tpu.memref_slice %arg12[%mul3A_266] : memref<4096xf32, #tpu.memory_space<vmem>> -> memref<2048xf32, #tpu.memory_space<vmem>>
        %dma_start3A_269 = tpu.memref_slice %arg8[%mul3A_268] : memref<12800000xf32, #tpu.memory_space<hbm>> -> memref<2048xf32, #tpu.memory_space<hbm>>
        %dma_start3A_270 = tpu.memref_slice %arg8[%mul3A_268] : memref<12800000xf32, #tpu.memory_space<hbm>> -> memref<2048xf32, #tpu.memory_space<hbm>>
        %dma_start3A_271 = tpu.memref_slice %arg12[%mul3A_266] : memref<4096xf32, #tpu.memory_space<vmem>> -> memref<2048xf32, #tpu.memory_space<vmem>>
        tpu.enqueue_dma source(%dma_start3A_271 : memref<2048xf32, #tpu.memory_space<vmem>>) target(%dma_start3A_270 : memref<2048xf32, #tpu.memory_space<hbm>>) target_semaphore(%arg21 : memref<!tpu.dma_semaphore, #tpu.memory_space<semaphore_mem>>)
      } else {
      }
      %scan3A_231 = arith.constant 0 : i32
      scf.yield %scan3A_231 : i32
    }
    %scan3A_10 = arith.constant 196 : i32
    "tpu.trace_stop"() : () -> ()
    %add3A_11 = arith.constant 6176 : i32
    %add3A_12 = arith.addi %add3A, %add3A_11 : i32
    %lt3A_13 = arith.constant 6250 : i32
    %lt3A_14 = arith.cmpi slt, %add3A_12, %lt3A_13 : i32
    %add3A_15 = arith.constant 6240 : i32
    %add3A_16 = arith.addi %add3A, %add3A_15 : i32
    %ge3A = arith.constant 6250 : i32
    %ge3A_17 = arith.cmpi sge, %add3A_16, %ge3A : i32
    %and3A = arith.andi %lt3A_14, %ge3A_17 : i1
    %convert_element_type3A_18 = arith.extui %and3A : i1 to i32
    %cond3A_19 = arith.constant 0 : i32
    %cond3A_20 = arith.cmpi ne, %convert_element_type3A_18, %cond3A_19 : i32
    scf.if %cond3A_20 {
      %add3A_209 = arith.constant 6176 : i32
      %add3A_210 = arith.addi %add3A, %add3A_209 : i32
      %and3A_211 = arith.constant 193 : i32
      %and3A_212 = arith.constant 1 : i32
      %and3A_213 = arith.andi %and3A_211, %and3A_212 : i32
      %mul3A_214 = arith.constant 2048 : i32
      %mul3A_215 = arith.muli %and3A_213, %mul3A_214 : i32
      %mul3A_216 = arith.constant 2048 : i32
      %mul3A_217 = arith.muli %add3A_210, %mul3A_216 : i32
      %dma_wait3A = tpu.memref_slice %arg12[%mul3A_215] : memref<4096xf32, #tpu.memory_space<vmem>> -> memref<2048xf32, #tpu.memory_space<vmem>>
      %dma_wait3A_218 = tpu.memref_slice %arg8[%mul3A_217] : memref<12800000xf32, #tpu.memory_space<hbm>> -> memref<2048xf32, #tpu.memory_space<hbm>>
      %dma_wait3A_219 = tpu.memref_slice %arg8[%mul3A_217] : memref<12800000xf32, #tpu.memory_space<hbm>> -> memref<2048xf32, #tpu.memory_space<hbm>>
      %dma_wait3A_220 = tpu.memref_slice %arg12[%mul3A_215] : memref<4096xf32, #tpu.memory_space<vmem>> -> memref<2048xf32, #tpu.memory_space<vmem>>
      tpu.wait_dma2 semaphore(%arg21 : memref<!tpu.dma_semaphore, #tpu.memory_space<semaphore_mem>>) src(%dma_wait3A_220 : memref<2048xf32, #tpu.memory_space<vmem>>) dst(%dma_wait3A_219 : memref<2048xf32, #tpu.memory_space<hbm>>)
    } else {
    }
    %add3A_21 = arith.constant 6208 : i32
    %add3A_22 = arith.addi %add3A, %add3A_21 : i32
    %lt3A_23 = arith.constant 6250 : i32
    %lt3A_24 = arith.cmpi slt, %add3A_22, %lt3A_23 : i32
    %add3A_25 = arith.constant 6272 : i32
    %add3A_26 = arith.addi %add3A, %add3A_25 : i32
    %ge3A_27 = arith.constant 6250 : i32
    %ge3A_28 = arith.cmpi sge, %add3A_26, %ge3A_27 : i32
    %and3A_29 = arith.andi %lt3A_24, %ge3A_28 : i1
    %convert_element_type3A_30 = arith.extui %and3A_29 : i1 to i32
    %cond3A_31 = arith.constant 0 : i32
    %cond3A_32 = arith.cmpi ne, %convert_element_type3A_30, %cond3A_31 : i32
    scf.if %cond3A_32 {
      %add3A_209 = arith.constant 6208 : i32
      %add3A_210 = arith.addi %add3A, %add3A_209 : i32
      %and3A_211 = arith.constant 194 : i32
      %and3A_212 = arith.constant 1 : i32
      %and3A_213 = arith.andi %and3A_211, %and3A_212 : i32
      %mul3A_214 = arith.constant 2048 : i32
      %mul3A_215 = arith.muli %and3A_213, %mul3A_214 : i32
      %mul3A_216 = arith.constant 2048 : i32
      %mul3A_217 = arith.muli %add3A_210, %mul3A_216 : i32
      %dma_wait3A = tpu.memref_slice %arg12[%mul3A_215] : memref<4096xf32, #tpu.memory_space<vmem>> -> memref<2048xf32, #tpu.memory_space<vmem>>
      %dma_wait3A_218 = tpu.memref_slice %arg8[%mul3A_217] : memref<12800000xf32, #tpu.memory_space<hbm>> -> memref<2048xf32, #tpu.memory_space<hbm>>
      %dma_wait3A_219 = tpu.memref_slice %arg8[%mul3A_217] : memref<12800000xf32, #tpu.memory_space<hbm>> -> memref<2048xf32, #tpu.memory_space<hbm>>
      %dma_wait3A_220 = tpu.memref_slice %arg12[%mul3A_215] : memref<4096xf32, #tpu.memory_space<vmem>> -> memref<2048xf32, #tpu.memory_space<vmem>>
      tpu.wait_dma2 semaphore(%arg21 : memref<!tpu.dma_semaphore, #tpu.memory_space<semaphore_mem>>) src(%dma_wait3A_220 : memref<2048xf32, #tpu.memory_space<vmem>>) dst(%dma_wait3A_219 : memref<2048xf32, #tpu.memory_space<hbm>>)
    } else {
    }
    %add3A_33 = arith.constant 6240 : i32
    %add3A_34 = arith.addi %add3A, %add3A_33 : i32
    %lt3A_35 = arith.constant 6250 : i32
    %lt3A_36 = arith.cmpi slt, %add3A_34, %lt3A_35 : i32
    %add3A_37 = arith.constant 6304 : i32
    %add3A_38 = arith.addi %add3A, %add3A_37 : i32
    %ge3A_39 = arith.constant 6250 : i32
    %ge3A_40 = arith.cmpi sge, %add3A_38, %ge3A_39 : i32
    %and3A_41 = arith.andi %lt3A_36, %ge3A_40 : i1
    %convert_element_type3A_42 = arith.extui %and3A_41 : i1 to i32
    %cond3A_43 = arith.constant 0 : i32
    %cond3A_44 = arith.cmpi ne, %convert_element_type3A_42, %cond3A_43 : i32
    scf.if %cond3A_44 {
      %add3A_209 = arith.constant 6240 : i32
      %add3A_210 = arith.addi %add3A, %add3A_209 : i32
      %and3A_211 = arith.constant 195 : i32
      %and3A_212 = arith.constant 1 : i32
      %and3A_213 = arith.andi %and3A_211, %and3A_212 : i32
      %mul3A_214 = arith.constant 2048 : i32
      %mul3A_215 = arith.muli %and3A_213, %mul3A_214 : i32
      %mul3A_216 = arith.constant 2048 : i32
      %mul3A_217 = arith.muli %add3A_210, %mul3A_216 : i32
      %dma_wait3A = tpu.memref_slice %arg12[%mul3A_215] : memref<4096xf32, #tpu.memory_space<vmem>> -> memref<2048xf32, #tpu.memory_space<vmem>>
      %dma_wait3A_218 = tpu.memref_slice %arg8[%mul3A_217] : memref<12800000xf32, #tpu.memory_space<hbm>> -> memref<2048xf32, #tpu.memory_space<hbm>>
      %dma_wait3A_219 = tpu.memref_slice %arg8[%mul3A_217] : memref<12800000xf32, #tpu.memory_space<hbm>> -> memref<2048xf32, #tpu.memory_space<hbm>>
      %dma_wait3A_220 = tpu.memref_slice %arg12[%mul3A_215] : memref<4096xf32, #tpu.memory_space<vmem>> -> memref<2048xf32, #tpu.memory_space<vmem>>
      tpu.wait_dma2 semaphore(%arg21 : memref<!tpu.dma_semaphore, #tpu.memory_space<semaphore_mem>>) src(%dma_wait3A_220 : memref<2048xf32, #tpu.memory_space<vmem>>) dst(%dma_wait3A_219 : memref<2048xf32, #tpu.memory_space<hbm>>)
    } else {
    }
    "tpu.region"() ({
      %run_scoped3A = tpu.sem_alloc : memref<!tpu.dma_semaphore, #tpu.memory_space<semaphore_mem>>
      %dma_start3A = arith.constant 0 : i32
      %dma_start3A_209 = tpu.memref_slice %arg10[%dma_start3A] : memref<100352xf32, #tpu.memory_space<vmem>> -> memref<100000xf32, #tpu.memory_space<vmem>>
      %dma_start3A_210 = arith.constant 100000 : i32
      %dma_start3A_211 = tpu.memref_slice %arg2[%dma_start3A_210] : memref<300000xf32, #tpu.memory_space<hbm>> -> memref<100000xf32, #tpu.memory_space<hbm>>
      %dma_start3A_212 = arith.constant 0 : i32
      %dma_start3A_213 = tpu.memref_slice %arg10[%dma_start3A_212] : memref<100352xf32, #tpu.memory_space<vmem>> -> memref<100000xf32, #tpu.memory_space<vmem>>
      %dma_start3A_214 = arith.constant 100000 : i32
      %dma_start3A_215 = tpu.memref_slice %arg2[%dma_start3A_214] : memref<300000xf32, #tpu.memory_space<hbm>> -> memref<100000xf32, #tpu.memory_space<hbm>>
      tpu.enqueue_dma source(%dma_start3A_215 : memref<100000xf32, #tpu.memory_space<hbm>>) target(%dma_start3A_213 : memref<100000xf32, #tpu.memory_space<vmem>>) target_semaphore(%run_scoped3A : memref<!tpu.dma_semaphore, #tpu.memory_space<semaphore_mem>>)
      %dma_wait3A = arith.constant 0 : i32
      %dma_wait3A_216 = tpu.memref_slice %arg10[%dma_wait3A] : memref<100352xf32, #tpu.memory_space<vmem>> -> memref<100000xf32, #tpu.memory_space<vmem>>
      %dma_wait3A_217 = arith.constant 100000 : i32
      %dma_wait3A_218 = tpu.memref_slice %arg2[%dma_wait3A_217] : memref<300000xf32, #tpu.memory_space<hbm>> -> memref<100000xf32, #tpu.memory_space<hbm>>
      %dma_wait3A_219 = arith.constant 0 : i32
      %dma_wait3A_220 = tpu.memref_slice %arg10[%dma_wait3A_219] : memref<100352xf32, #tpu.memory_space<vmem>> -> memref<100000xf32, #tpu.memory_space<vmem>>
      %dma_wait3A_221 = arith.constant 100000 : i32
      %dma_wait3A_222 = tpu.memref_slice %arg2[%dma_wait3A_221] : memref<300000xf32, #tpu.memory_space<hbm>> -> memref<100000xf32, #tpu.memory_space<hbm>>
      tpu.wait_dma2 semaphore(%run_scoped3A : memref<!tpu.dma_semaphore, #tpu.memory_space<semaphore_mem>>) src(%dma_wait3A_222 : memref<100000xf32, #tpu.memory_space<hbm>>) dst(%dma_wait3A_220 : memref<100000xf32, #tpu.memory_space<vmem>>)
      tpu.yield
    }) : () -> ()
    %add3A_45 = arith.constant 0 : i32
    %add3A_46 = arith.addi %add3A, %add3A_45 : i32
    %lt3A_47 = arith.constant 6250 : i32
    %lt3A_48 = arith.cmpi slt, %add3A_46, %lt3A_47 : i32
    %convert_element_type3A_49 = arith.extui %lt3A_48 : i1 to i32
    %cond3A_50 = arith.constant 0 : i32
    %cond3A_51 = arith.cmpi ne, %convert_element_type3A_49, %cond3A_50 : i32
    scf.if %cond3A_51 {
      %add3A_209 = arith.constant 0 : i32
      %add3A_210 = arith.addi %add3A, %add3A_209 : i32
      %and3A_211 = arith.constant 0 : i32
      %and3A_212 = arith.constant 1 : i32
      %and3A_213 = arith.andi %and3A_211, %and3A_212 : i32
      %mul3A_214 = arith.constant 16 : i32
      %mul3A_215 = arith.muli %add3A_210, %mul3A_214 : i32
      %mul3A_216 = arith.constant 16 : i32
      %mul3A_217 = arith.muli %and3A_213, %mul3A_216 : i32
      %dma_start3A = arith.constant 0 : i32
      %dma_start3A_218 = tpu.memref_slice %arg11[%mul3A_217, %dma_start3A] : memref<32x128xi32, #tpu.memory_space<vmem>> -> memref<16x128xi32, #tpu.memory_space<vmem>>
      %dma_start3A_219 = arith.constant 0 : i32
      %dma_start3A_220 = tpu.memref_slice %arg3[%mul3A_215, %dma_start3A_219] : memref<100000x128xi32, #tpu.memory_space<hbm>> -> memref<16x128xi32, #tpu.memory_space<hbm>>
      %dma_start3A_221 = arith.constant 0 : i32
      %dma_start3A_222 = tpu.memref_slice %arg11[%mul3A_217, %dma_start3A_221] : memref<32x128xi32, #tpu.memory_space<vmem>> -> memref<16x128xi32, #tpu.memory_space<vmem>>
      %dma_start3A_223 = arith.constant 0 : i32
      %dma_start3A_224 = tpu.memref_slice %arg3[%mul3A_215, %dma_start3A_223] : memref<100000x128xi32, #tpu.memory_space<hbm>> -> memref<16x128xi32, #tpu.memory_space<hbm>>
      tpu.enqueue_dma source(%dma_start3A_224 : memref<16x128xi32, #tpu.memory_space<hbm>>) target(%dma_start3A_222 : memref<16x128xi32, #tpu.memory_space<vmem>>) target_semaphore(%arg20 : memref<!tpu.dma_semaphore, #tpu.memory_space<semaphore_mem>>)
    } else {
    }
    "tpu.trace_start"() <{level = 10 : i32, message = "pass_gather"}> : () -> ()
    %scan3A_52 = arith.constant 0 : i32
    %scan3A_53 = arith.constant 0 : i32
    %scan3A_54 = arith.constant 196 : i32
    %scan3A_55 = arith.addi %scan3A_53, %scan3A_54 : i32
    %scan3A_56 = arith.constant 1 : i32
    %scan3A_57 = scf.for %scan3A_209 = %scan3A_53 to %scan3A_55 step %scan3A_56 iter_args(%scan3A_210 = %scan3A_52) -> (i32)  : i32 {
      %mul3A_211 = arith.constant 32 : i32
      %mul3A_212 = arith.muli %scan3A_209, %mul3A_211 : i32
      %add3A_213 = arith.addi %add3A, %mul3A_212 : i32
      %and3A_214 = arith.constant 1 : i32
      %and3A_215 = arith.andi %scan3A_209, %and3A_214 : i32
      %add3A_216 = arith.constant 1 : i32
      %add3A_217 = arith.addi %scan3A_209, %add3A_216 : i32
      %mul3A_218 = arith.constant 32 : i32
      %mul3A_219 = arith.muli %add3A_217, %mul3A_218 : i32
      %add3A_220 = arith.addi %add3A, %mul3A_219 : i32
      %lt3A_221 = arith.constant 6250 : i32
      %lt3A_222 = arith.cmpi slt, %add3A_220, %lt3A_221 : i32
      %convert_element_type3A_223 = arith.extui %lt3A_222 : i1 to i32
      %cond3A_224 = arith.constant 0 : i32
      %cond3A_225 = arith.cmpi ne, %convert_element_type3A_223, %cond3A_224 : i32
      scf.if %cond3A_225 {
        %mul3A_232 = arith.constant 32 : i32
        %mul3A_233 = arith.muli %add3A_217, %mul3A_232 : i32
        %add3A_234 = arith.addi %add3A, %mul3A_233 : i32
        %and3A_235 = arith.constant 1 : i32
        %and3A_236 = arith.andi %add3A_217, %and3A_235 : i32
        %mul3A_237 = arith.constant 16 : i32
        %mul3A_238 = arith.muli %add3A_234, %mul3A_237 : i32
        %mul3A_239 = arith.constant 16 : i32
        %mul3A_240 = arith.muli %and3A_236, %mul3A_239 : i32
        %dma_start3A = arith.constant 0 : i32
        %dma_start3A_241 = tpu.memref_slice %arg11[%mul3A_240, %dma_start3A] : memref<32x128xi32, #tpu.memory_space<vmem>> -> memref<16x128xi32, #tpu.memory_space<vmem>>
        %dma_start3A_242 = arith.constant 0 : i32
        %dma_start3A_243 = tpu.memref_slice %arg3[%mul3A_238, %dma_start3A_242] : memref<100000x128xi32, #tpu.memory_space<hbm>> -> memref<16x128xi32, #tpu.memory_space<hbm>>
        %dma_start3A_244 = arith.constant 0 : i32
        %dma_start3A_245 = tpu.memref_slice %arg11[%mul3A_240, %dma_start3A_244] : memref<32x128xi32, #tpu.memory_space<vmem>> -> memref<16x128xi32, #tpu.memory_space<vmem>>
        %dma_start3A_246 = arith.constant 0 : i32
        %dma_start3A_247 = tpu.memref_slice %arg3[%mul3A_238, %dma_start3A_246] : memref<100000x128xi32, #tpu.memory_space<hbm>> -> memref<16x128xi32, #tpu.memory_space<hbm>>
        tpu.enqueue_dma source(%dma_start3A_247 : memref<16x128xi32, #tpu.memory_space<hbm>>) target(%dma_start3A_245 : memref<16x128xi32, #tpu.memory_space<vmem>>) target_semaphore(%arg20 : memref<!tpu.dma_semaphore, #tpu.memory_space<semaphore_mem>>)
      } else {
      }
      %lt3A_226 = arith.constant 6250 : i32
      %lt3A_227 = arith.cmpi slt, %add3A_213, %lt3A_226 : i32
      %convert_element_type3A_228 = arith.extui %lt3A_227 : i1 to i32
      %cond3A_229 = arith.constant 0 : i32
      %cond3A_230 = arith.cmpi ne, %convert_element_type3A_228, %cond3A_229 : i32
      scf.if %cond3A_230 {
        %mul3A_232 = arith.constant 32 : i32
        %mul3A_233 = arith.muli %scan3A_209, %mul3A_232 : i32
        %add3A_234 = arith.addi %add3A, %mul3A_233 : i32
        %and3A_235 = arith.constant 1 : i32
        %and3A_236 = arith.andi %scan3A_209, %and3A_235 : i32
        %mul3A_237 = arith.constant 16 : i32
        %mul3A_238 = arith.muli %add3A_234, %mul3A_237 : i32
        %mul3A_239 = arith.constant 16 : i32
        %mul3A_240 = arith.muli %and3A_236, %mul3A_239 : i32
        %dma_wait3A = arith.constant 0 : i32
        %dma_wait3A_241 = tpu.memref_slice %arg11[%mul3A_240, %dma_wait3A] : memref<32x128xi32, #tpu.memory_space<vmem>> -> memref<16x128xi32, #tpu.memory_space<vmem>>
        %dma_wait3A_242 = arith.constant 0 : i32
        %dma_wait3A_243 = tpu.memref_slice %arg3[%mul3A_238, %dma_wait3A_242] : memref<100000x128xi32, #tpu.memory_space<hbm>> -> memref<16x128xi32, #tpu.memory_space<hbm>>
        %dma_wait3A_244 = arith.constant 0 : i32
        %dma_wait3A_245 = tpu.memref_slice %arg11[%mul3A_240, %dma_wait3A_244] : memref<32x128xi32, #tpu.memory_space<vmem>> -> memref<16x128xi32, #tpu.memory_space<vmem>>
        %dma_wait3A_246 = arith.constant 0 : i32
        %dma_wait3A_247 = tpu.memref_slice %arg3[%mul3A_238, %dma_wait3A_246] : memref<100000x128xi32, #tpu.memory_space<hbm>> -> memref<16x128xi32, #tpu.memory_space<hbm>>
        tpu.wait_dma2 semaphore(%arg20 : memref<!tpu.dma_semaphore, #tpu.memory_space<semaphore_mem>>) src(%dma_wait3A_247 : memref<16x128xi32, #tpu.memory_space<hbm>>) dst(%dma_wait3A_245 : memref<16x128xi32, #tpu.memory_space<vmem>>)
        %ge3A_248 = arith.constant 2 : i32
        %ge3A_249 = arith.cmpi sge, %scan3A_209, %ge3A_248 : i32
        %convert_element_type3A_250 = arith.extui %ge3A_249 : i1 to i32
        %cond3A_251 = arith.constant 0 : i32
        %cond3A_252 = arith.cmpi ne, %convert_element_type3A_250, %cond3A_251 : i32
        scf.if %cond3A_252 {
          %sub3A = arith.constant 2 : i32
          %sub3A_272 = arith.subi %scan3A_209, %sub3A : i32
          %mul3A_273 = arith.constant 32 : i32
          %mul3A_274 = arith.muli %sub3A_272, %mul3A_273 : i32
          %add3A_275 = arith.addi %add3A, %mul3A_274 : i32
          %and3A_276 = arith.constant 1 : i32
          %and3A_277 = arith.andi %sub3A_272, %and3A_276 : i32
          %mul3A_278 = arith.constant 2048 : i32
          %mul3A_279 = arith.muli %and3A_277, %mul3A_278 : i32
          %mul3A_280 = arith.constant 2048 : i32
          %mul3A_281 = arith.muli %add3A_275, %mul3A_280 : i32
          %dma_wait3A_282 = tpu.memref_slice %arg13[%mul3A_279] : memref<4096xf32, #tpu.memory_space<vmem>> -> memref<2048xf32, #tpu.memory_space<vmem>>
          %dma_wait3A_283 = tpu.memref_slice %arg9[%mul3A_281] : memref<12800000xf32, #tpu.memory_space<hbm>> -> memref<2048xf32, #tpu.memory_space<hbm>>
          %dma_wait3A_284 = tpu.memref_slice %arg9[%mul3A_281] : memref<12800000xf32, #tpu.memory_space<hbm>> -> memref<2048xf32, #tpu.memory_space<hbm>>
          %dma_wait3A_285 = tpu.memref_slice %arg13[%mul3A_279] : memref<4096xf32, #tpu.memory_space<vmem>> -> memref<2048xf32, #tpu.memory_space<vmem>>
          tpu.wait_dma2 semaphore(%arg21 : memref<!tpu.dma_semaphore, #tpu.memory_space<semaphore_mem>>) src(%dma_wait3A_285 : memref<2048xf32, #tpu.memory_space<vmem>>) dst(%dma_wait3A_284 : memref<2048xf32, #tpu.memory_space<hbm>>)
        } else {
        }
        %scan3A_253 = arith.constant 0 : i32
        %scan3A_254 = arith.constant 0 : i32
        %scan3A_255 = arith.constant 32 : i32
        %scan3A_256 = arith.addi %scan3A_254, %scan3A_255 : i32
        %scan3A_257 = arith.constant 1 : i32
        %scan3A_258 = scf.for %scan3A_272 = %scan3A_254 to %scan3A_256 step %scan3A_257 iter_args(%scan3A_273 = %scan3A_253) -> (i32)  : i32 {
          %mul3A_274 = arith.constant 16 : i32
          %mul3A_275 = arith.muli %and3A_215, %mul3A_274 : i32
          %shift_right_logical3A = arith.constant 3 : i32
          %shift_right_logical3A_276 = arith.shrui %scan3A_272, %shift_right_logical3A : i32
          %mul3A_277 = arith.constant 4 : i32
          %mul3A_278 = arith.muli %shift_right_logical3A_276, %mul3A_277 : i32
          %add3A_279 = arith.addi %mul3A_275, %mul3A_278 : i32
          %and3A_280 = arith.constant 7 : i32
          %and3A_281 = arith.andi %scan3A_272, %and3A_280 : i32
          %mul3A_282 = arith.constant 16 : i32
          %mul3A_283 = arith.muli %and3A_281, %mul3A_282 : i32
          %mul3A_284 = arith.constant 2048 : i32
          %mul3A_285 = arith.muli %and3A_215, %mul3A_284 : i32
          %shift_right_logical3A_286 = arith.constant 3 : i32
          %shift_right_logical3A_287 = arith.shrui %scan3A_272, %shift_right_logical3A_286 : i32
          %mul3A_288 = arith.constant 512 : i32
          %mul3A_289 = arith.muli %shift_right_logical3A_287, %mul3A_288 : i32
          %add3A_290 = arith.addi %mul3A_285, %mul3A_289 : i32
          %and3A_291 = arith.constant 7 : i32
          %and3A_292 = arith.andi %scan3A_272, %and3A_291 : i32
          %mul3A_293 = arith.constant 16 : i32
          %mul3A_294 = arith.muli %and3A_292, %mul3A_293 : i32
          %add3A_295 = arith.addi %add3A_290, %mul3A_294 : i32
          %add3A_296 = arith.constant 0 : i32
          %add3A_297 = arith.addi %add3A_279, %add3A_296 : i32
          %get3A = arith.index_cast %add3A_297 : i32 to index
          %get3A_298 = arith.index_cast %mul3A_283 : i32 to index
          %get3A_299 = tpu.vector_load %arg11[%get3A, %get3A_298] {strides = array<i32>} : memref<32x128xi32, #tpu.memory_space<vmem>>, vector<16xi32>,
          %gather3A = tpu.vector_load_idx %arg10[%get3A_299] : memref<100352xf32, #tpu.memory_space<vmem>>[vector<16xi32>], vector<16xf32>,
          %add3A_300 = arith.constant 0 : i32
          %add3A_301 = arith.addi %add3A_295, %add3A_300 : i32
          %swap3A = arith.index_cast %add3A_301 : i32 to index
          %swap3A_302 = tpu.vector_load %arg13[%swap3A] {strides = array<i32>} : memref<4096xf32, #tpu.memory_space<vmem>>, vector<16xf32>,
          tpu.vector_store %arg13[%swap3A], %gather3A {strides = array<i32>} : memref<4096xf32, #tpu.memory_space<vmem>>, vector<16xf32>,
          %add3A_303 = arith.constant 1 : i32
          %add3A_304 = arith.addi %add3A_279, %add3A_303 : i32
          %get3A_305 = arith.index_cast %add3A_304 : i32 to index
          %get3A_306 = arith.index_cast %mul3A_283 : i32 to index
          %get3A_307 = tpu.vector_load %arg11[%get3A_305, %get3A_306] {strides = array<i32>} : memref<32x128xi32, #tpu.memory_space<vmem>>, vector<16xi32>,
          %gather3A_308 = tpu.vector_load_idx %arg10[%get3A_307] : memref<100352xf32, #tpu.memory_space<vmem>>[vector<16xi32>], vector<16xf32>,
          %add3A_309 = arith.constant 128 : i32
          %add3A_310 = arith.addi %add3A_295, %add3A_309 : i32
          %swap3A_311 = arith.index_cast %add3A_310 : i32 to index
          %swap3A_312 = tpu.vector_load %arg13[%swap3A_311] {strides = array<i32>} : memref<4096xf32, #tpu.memory_space<vmem>>, vector<16xf32>,
          tpu.vector_store %arg13[%swap3A_311], %gather3A_308 {strides = array<i32>} : memref<4096xf32, #tpu.memory_space<vmem>>, vector<16xf32>,
          %add3A_313 = arith.constant 2 : i32
          %add3A_314 = arith.addi %add3A_279, %add3A_313 : i32
          %get3A_315 = arith.index_cast %add3A_314 : i32 to index
          %get3A_316 = arith.index_cast %mul3A_283 : i32 to index
          %get3A_317 = tpu.vector_load %arg11[%get3A_315, %get3A_316] {strides = array<i32>} : memref<32x128xi32, #tpu.memory_space<vmem>>, vector<16xi32>,
          %gather3A_318 = tpu.vector_load_idx %arg10[%get3A_317] : memref<100352xf32, #tpu.memory_space<vmem>>[vector<16xi32>], vector<16xf32>,
          %add3A_319 = arith.constant 256 : i32
          %add3A_320 = arith.addi %add3A_295, %add3A_319 : i32
          %swap3A_321 = arith.index_cast %add3A_320 : i32 to index
          %swap3A_322 = tpu.vector_load %arg13[%swap3A_321] {strides = array<i32>} : memref<4096xf32, #tpu.memory_space<vmem>>, vector<16xf32>,
          tpu.vector_store %arg13[%swap3A_321], %gather3A_318 {strides = array<i32>} : memref<4096xf32, #tpu.memory_space<vmem>>, vector<16xf32>,
          %add3A_323 = arith.constant 3 : i32
          %add3A_324 = arith.addi %add3A_279, %add3A_323 : i32
          %get3A_325 = arith.index_cast %add3A_324 : i32 to index
          %get3A_326 = arith.index_cast %mul3A_283 : i32 to index
          %get3A_327 = tpu.vector_load %arg11[%get3A_325, %get3A_326] {strides = array<i32>} : memref<32x128xi32, #tpu.memory_space<vmem>>, vector<16xi32>,
          %gather3A_328 = tpu.vector_load_idx %arg10[%get3A_327] : memref<100352xf32, #tpu.memory_space<vmem>>[vector<16xi32>], vector<16xf32>,
          %add3A_329 = arith.constant 384 : i32
          %add3A_330 = arith.addi %add3A_295, %add3A_329 : i32
          %swap3A_331 = arith.index_cast %add3A_330 : i32 to index
          %swap3A_332 = tpu.vector_load %arg13[%swap3A_331] {strides = array<i32>} : memref<4096xf32, #tpu.memory_space<vmem>>, vector<16xf32>,
          tpu.vector_store %arg13[%swap3A_331], %gather3A_328 {strides = array<i32>} : memref<4096xf32, #tpu.memory_space<vmem>>, vector<16xf32>,
          %scan3A_333 = arith.constant 0 : i32
          scf.yield %scan3A_333 : i32
        }
        %scan3A_259 = arith.constant 32 : i32
        %mul3A_260 = arith.constant 32 : i32
        %mul3A_261 = arith.muli %scan3A_209, %mul3A_260 : i32
        %add3A_262 = arith.addi %add3A, %mul3A_261 : i32
        %and3A_263 = arith.constant 1 : i32
        %and3A_264 = arith.andi %scan3A_209, %and3A_263 : i32
        %mul3A_265 = arith.constant 2048 : i32
        %mul3A_266 = arith.muli %and3A_264, %mul3A_265 : i32
        %mul3A_267 = arith.constant 2048 : i32
        %mul3A_268 = arith.muli %add3A_262, %mul3A_267 : i32
        %dma_start3A = tpu.memref_slice %arg13[%mul3A_266] : memref<4096xf32, #tpu.memory_space<vmem>> -> memref<2048xf32, #tpu.memory_space<vmem>>
        %dma_start3A_269 = tpu.memref_slice %arg9[%mul3A_268] : memref<12800000xf32, #tpu.memory_space<hbm>> -> memref<2048xf32, #tpu.memory_space<hbm>>
        %dma_start3A_270 = tpu.memref_slice %arg9[%mul3A_268] : memref<12800000xf32, #tpu.memory_space<hbm>> -> memref<2048xf32, #tpu.memory_space<hbm>>
        %dma_start3A_271 = tpu.memref_slice %arg13[%mul3A_266] : memref<4096xf32, #tpu.memory_space<vmem>> -> memref<2048xf32, #tpu.memory_space<vmem>>
        tpu.enqueue_dma source(%dma_start3A_271 : memref<2048xf32, #tpu.memory_space<vmem>>) target(%dma_start3A_270 : memref<2048xf32, #tpu.memory_space<hbm>>) target_semaphore(%arg21 : memref<!tpu.dma_semaphore, #tpu.memory_space<semaphore_mem>>)
      } else {
      }
      %scan3A_231 = arith.constant 0 : i32
      scf.yield %scan3A_231 : i32
    }
    %scan3A_58 = arith.constant 196 : i32
    "tpu.trace_stop"() : () -> ()
    %add3A_59 = arith.constant 6176 : i32
    %add3A_60 = arith.addi %add3A, %add3A_59 : i32
    %lt3A_61 = arith.constant 6250 : i32
    %lt3A_62 = arith.cmpi slt, %add3A_60, %lt3A_61 : i32
    %add3A_63 = arith.constant 6240 : i32
    %add3A_64 = arith.addi %add3A, %add3A_63 : i32
    %ge3A_65 = arith.constant 6250 : i32
    %ge3A_66 = arith.cmpi sge, %add3A_64, %ge3A_65 : i32
    %and3A_67 = arith.andi %lt3A_62, %ge3A_66 : i1
    %convert_element_type3A_68 = arith.extui %and3A_67 : i1 to i32
    %cond3A_69 = arith.constant 0 : i32
    %cond3A_70 = arith.cmpi ne, %convert_element_type3A_68, %cond3A_69 : i32
    scf.if %cond3A_70 {
      %add3A_209 = arith.constant 6176 : i32
      %add3A_210 = arith.addi %add3A, %add3A_209 : i32
      %and3A_211 = arith.constant 193 : i32
      %and3A_212 = arith.constant 1 : i32
      %and3A_213 = arith.andi %and3A_211, %and3A_212 : i32
      %mul3A_214 = arith.constant 2048 : i32
      %mul3A_215 = arith.muli %and3A_213, %mul3A_214 : i32
      %mul3A_216 = arith.constant 2048 : i32
      %mul3A_217 = arith.muli %add3A_210, %mul3A_216 : i32
      %dma_wait3A = tpu.memref_slice %arg13[%mul3A_215] : memref<4096xf32, #tpu.memory_space<vmem>> -> memref<2048xf32, #tpu.memory_space<vmem>>
      %dma_wait3A_218 = tpu.memref_slice %arg9[%mul3A_217] : memref<12800000xf32, #tpu.memory_space<hbm>> -> memref<2048xf32, #tpu.memory_space<hbm>>
      %dma_wait3A_219 = tpu.memref_slice %arg9[%mul3A_217] : memref<12800000xf32, #tpu.memory_space<hbm>> -> memref<2048xf32, #tpu.memory_space<hbm>>
      %dma_wait3A_220 = tpu.memref_slice %arg13[%mul3A_215] : memref<4096xf32, #tpu.memory_space<vmem>> -> memref<2048xf32, #tpu.memory_space<vmem>>
      tpu.wait_dma2 semaphore(%arg21 : memref<!tpu.dma_semaphore, #tpu.memory_space<semaphore_mem>>) src(%dma_wait3A_220 : memref<2048xf32, #tpu.memory_space<vmem>>) dst(%dma_wait3A_219 : memref<2048xf32, #tpu.memory_space<hbm>>)
    } else {
    }
    %add3A_71 = arith.constant 6208 : i32
    %add3A_72 = arith.addi %add3A, %add3A_71 : i32
    %lt3A_73 = arith.constant 6250 : i32
    %lt3A_74 = arith.cmpi slt, %add3A_72, %lt3A_73 : i32
    %add3A_75 = arith.constant 6272 : i32
    %add3A_76 = arith.addi %add3A, %add3A_75 : i32
    %ge3A_77 = arith.constant 6250 : i32
    %ge3A_78 = arith.cmpi sge, %add3A_76, %ge3A_77 : i32
    %and3A_79 = arith.andi %lt3A_74, %ge3A_78 : i1
    %convert_element_type3A_80 = arith.extui %and3A_79 : i1 to i32
    %cond3A_81 = arith.constant 0 : i32
    %cond3A_82 = arith.cmpi ne, %convert_element_type3A_80, %cond3A_81 : i32
    scf.if %cond3A_82 {
      %add3A_209 = arith.constant 6208 : i32
      %add3A_210 = arith.addi %add3A, %add3A_209 : i32
      %and3A_211 = arith.constant 194 : i32
      %and3A_212 = arith.constant 1 : i32
      %and3A_213 = arith.andi %and3A_211, %and3A_212 : i32
      %mul3A_214 = arith.constant 2048 : i32
      %mul3A_215 = arith.muli %and3A_213, %mul3A_214 : i32
      %mul3A_216 = arith.constant 2048 : i32
      %mul3A_217 = arith.muli %add3A_210, %mul3A_216 : i32
      %dma_wait3A = tpu.memref_slice %arg13[%mul3A_215] : memref<4096xf32, #tpu.memory_space<vmem>> -> memref<2048xf32, #tpu.memory_space<vmem>>
      %dma_wait3A_218 = tpu.memref_slice %arg9[%mul3A_217] : memref<12800000xf32, #tpu.memory_space<hbm>> -> memref<2048xf32, #tpu.memory_space<hbm>>
      %dma_wait3A_219 = tpu.memref_slice %arg9[%mul3A_217] : memref<12800000xf32, #tpu.memory_space<hbm>> -> memref<2048xf32, #tpu.memory_space<hbm>>
      %dma_wait3A_220 = tpu.memref_slice %arg13[%mul3A_215] : memref<4096xf32, #tpu.memory_space<vmem>> -> memref<2048xf32, #tpu.memory_space<vmem>>
      tpu.wait_dma2 semaphore(%arg21 : memref<!tpu.dma_semaphore, #tpu.memory_space<semaphore_mem>>) src(%dma_wait3A_220 : memref<2048xf32, #tpu.memory_space<vmem>>) dst(%dma_wait3A_219 : memref<2048xf32, #tpu.memory_space<hbm>>)
    } else {
    }
    %add3A_83 = arith.constant 6240 : i32
    %add3A_84 = arith.addi %add3A, %add3A_83 : i32
    %lt3A_85 = arith.constant 6250 : i32
    %lt3A_86 = arith.cmpi slt, %add3A_84, %lt3A_85 : i32
    %add3A_87 = arith.constant 6304 : i32
    %add3A_88 = arith.addi %add3A, %add3A_87 : i32
    %ge3A_89 = arith.constant 6250 : i32
    %ge3A_90 = arith.cmpi sge, %add3A_88, %ge3A_89 : i32
    %and3A_91 = arith.andi %lt3A_86, %ge3A_90 : i1
    %convert_element_type3A_92 = arith.extui %and3A_91 : i1 to i32
    %cond3A_93 = arith.constant 0 : i32
    %cond3A_94 = arith.cmpi ne, %convert_element_type3A_92, %cond3A_93 : i32
    scf.if %cond3A_94 {
      %add3A_209 = arith.constant 6240 : i32
      %add3A_210 = arith.addi %add3A, %add3A_209 : i32
      %and3A_211 = arith.constant 195 : i32
      %and3A_212 = arith.constant 1 : i32
      %and3A_213 = arith.andi %and3A_211, %and3A_212 : i32
      %mul3A_214 = arith.constant 2048 : i32
      %mul3A_215 = arith.muli %and3A_213, %mul3A_214 : i32
      %mul3A_216 = arith.constant 2048 : i32
      %mul3A_217 = arith.muli %add3A_210, %mul3A_216 : i32
      %dma_wait3A = tpu.memref_slice %arg13[%mul3A_215] : memref<4096xf32, #tpu.memory_space<vmem>> -> memref<2048xf32, #tpu.memory_space<vmem>>
      %dma_wait3A_218 = tpu.memref_slice %arg9[%mul3A_217] : memref<12800000xf32, #tpu.memory_space<hbm>> -> memref<2048xf32, #tpu.memory_space<hbm>>
      %dma_wait3A_219 = tpu.memref_slice %arg9[%mul3A_217] : memref<12800000xf32, #tpu.memory_space<hbm>> -> memref<2048xf32, #tpu.memory_space<hbm>>
      %dma_wait3A_220 = tpu.memref_slice %arg13[%mul3A_215] : memref<4096xf32, #tpu.memory_space<vmem>> -> memref<2048xf32, #tpu.memory_space<vmem>>
      tpu.wait_dma2 semaphore(%arg21 : memref<!tpu.dma_semaphore, #tpu.memory_space<semaphore_mem>>) src(%dma_wait3A_220 : memref<2048xf32, #tpu.memory_space<vmem>>) dst(%dma_wait3A_219 : memref<2048xf32, #tpu.memory_space<hbm>>)
    } else {
    }
    "tpu.region"() ({
      %run_scoped3A = tpu.sem_alloc : memref<!tpu.dma_semaphore, #tpu.memory_space<semaphore_mem>>
      %dma_start3A = arith.constant 0 : i32
      %dma_start3A_209 = tpu.memref_slice %arg10[%dma_start3A] : memref<100352xf32, #tpu.memory_space<vmem>> -> memref<100000xf32, #tpu.memory_space<vmem>>
      %dma_start3A_210 = arith.constant 200000 : i32
      %dma_start3A_211 = tpu.memref_slice %arg2[%dma_start3A_210] : memref<300000xf32, #tpu.memory_space<hbm>> -> memref<100000xf32, #tpu.memory_space<hbm>>
      %dma_start3A_212 = arith.constant 0 : i32
      %dma_start3A_213 = tpu.memref_slice %arg10[%dma_start3A_212] : memref<100352xf32, #tpu.memory_space<vmem>> -> memref<100000xf32, #tpu.memory_space<vmem>>
      %dma_start3A_214 = arith.constant 200000 : i32
      %dma_start3A_215 = tpu.memref_slice %arg2[%dma_start3A_214] : memref<300000xf32, #tpu.memory_space<hbm>> -> memref<100000xf32, #tpu.memory_space<hbm>>
      tpu.enqueue_dma source(%dma_start3A_215 : memref<100000xf32, #tpu.memory_space<hbm>>) target(%dma_start3A_213 : memref<100000xf32, #tpu.memory_space<vmem>>) target_semaphore(%run_scoped3A : memref<!tpu.dma_semaphore, #tpu.memory_space<semaphore_mem>>)
      %dma_wait3A = arith.constant 0 : i32
      %dma_wait3A_216 = tpu.memref_slice %arg10[%dma_wait3A] : memref<100352xf32, #tpu.memory_space<vmem>> -> memref<100000xf32, #tpu.memory_space<vmem>>
      %dma_wait3A_217 = arith.constant 200000 : i32
      %dma_wait3A_218 = tpu.memref_slice %arg2[%dma_wait3A_217] : memref<300000xf32, #tpu.memory_space<hbm>> -> memref<100000xf32, #tpu.memory_space<hbm>>
      %dma_wait3A_219 = arith.constant 0 : i32
      %dma_wait3A_220 = tpu.memref_slice %arg10[%dma_wait3A_219] : memref<100352xf32, #tpu.memory_space<vmem>> -> memref<100000xf32, #tpu.memory_space<vmem>>
      %dma_wait3A_221 = arith.constant 200000 : i32
      %dma_wait3A_222 = tpu.memref_slice %arg2[%dma_wait3A_221] : memref<300000xf32, #tpu.memory_space<hbm>> -> memref<100000xf32, #tpu.memory_space<hbm>>
      tpu.wait_dma2 semaphore(%run_scoped3A : memref<!tpu.dma_semaphore, #tpu.memory_space<semaphore_mem>>) src(%dma_wait3A_222 : memref<100000xf32, #tpu.memory_space<hbm>>) dst(%dma_wait3A_220 : memref<100000xf32, #tpu.memory_space<vmem>>)
      tpu.yield
    }) : () -> ()
    %add3A_95 = arith.constant 0 : i32
    %add3A_96 = arith.addi %add3A, %add3A_95 : i32
    %lt3A_97 = arith.constant 6250 : i32
    %lt3A_98 = arith.cmpi slt, %add3A_96, %lt3A_97 : i32
    %convert_element_type3A_99 = arith.extui %lt3A_98 : i1 to i32
    %cond3A_100 = arith.constant 0 : i32
    %cond3A_101 = arith.cmpi ne, %convert_element_type3A_99, %cond3A_100 : i32
    scf.if %cond3A_101 {
      %add3A_209 = arith.constant 0 : i32
      %add3A_210 = arith.addi %add3A, %add3A_209 : i32
      %and3A_211 = arith.constant 0 : i32
      %and3A_212 = arith.constant 1 : i32
      %and3A_213 = arith.andi %and3A_211, %and3A_212 : i32
      %mul3A_214 = arith.constant 16 : i32
      %mul3A_215 = arith.muli %add3A_210, %mul3A_214 : i32
      %mul3A_216 = arith.constant 16 : i32
      %mul3A_217 = arith.muli %and3A_213, %mul3A_216 : i32
      %mul3A_218 = arith.constant 512 : i32
      %mul3A_219 = arith.muli %add3A_210, %mul3A_218 : i32
      %mul3A_220 = arith.constant 512 : i32
      %mul3A_221 = arith.muli %and3A_213, %mul3A_220 : i32
      %mul3A_222 = arith.constant 2048 : i32
      %mul3A_223 = arith.muli %add3A_210, %mul3A_222 : i32
      %mul3A_224 = arith.constant 2048 : i32
      %mul3A_225 = arith.muli %and3A_213, %mul3A_224 : i32
      %mul3A_226 = arith.constant 2048 : i32
      %mul3A_227 = arith.muli %add3A_210, %mul3A_226 : i32
      %mul3A_228 = arith.constant 2048 : i32
      %mul3A_229 = arith.muli %and3A_213, %mul3A_228 : i32
      %dma_start3A = arith.constant 0 : i32
      %dma_start3A_230 = tpu.memref_slice %arg11[%mul3A_217, %dma_start3A] : memref<32x128xi32, #tpu.memory_space<vmem>> -> memref<16x128xi32, #tpu.memory_space<vmem>>
      %dma_start3A_231 = arith.constant 0 : i32
      %dma_start3A_232 = tpu.memref_slice %arg3[%mul3A_215, %dma_start3A_231] : memref<100000x128xi32, #tpu.memory_space<hbm>> -> memref<16x128xi32, #tpu.memory_space<hbm>>
      %dma_start3A_233 = arith.constant 0 : i32
      %dma_start3A_234 = tpu.memref_slice %arg11[%mul3A_217, %dma_start3A_233] : memref<32x128xi32, #tpu.memory_space<vmem>> -> memref<16x128xi32, #tpu.memory_space<vmem>>
      %dma_start3A_235 = arith.constant 0 : i32
      %dma_start3A_236 = tpu.memref_slice %arg3[%mul3A_215, %dma_start3A_235] : memref<100000x128xi32, #tpu.memory_space<hbm>> -> memref<16x128xi32, #tpu.memory_space<hbm>>
      tpu.enqueue_dma source(%dma_start3A_236 : memref<16x128xi32, #tpu.memory_space<hbm>>) target(%dma_start3A_234 : memref<16x128xi32, #tpu.memory_space<vmem>>) target_semaphore(%arg20 : memref<!tpu.dma_semaphore, #tpu.memory_space<semaphore_mem>>)
      %dma_start3A_237 = tpu.memref_slice %arg14[%mul3A_221] : memref<1024xf32, #tpu.memory_space<vmem>> -> memref<512xf32, #tpu.memory_space<vmem>>
      %dma_start3A_238 = tpu.memref_slice %arg4[%mul3A_219] : memref<3200000xf32, #tpu.memory_space<hbm>> -> memref<512xf32, #tpu.memory_space<hbm>>
      %dma_start3A_239 = tpu.memref_slice %arg14[%mul3A_221] : memref<1024xf32, #tpu.memory_space<vmem>> -> memref<512xf32, #tpu.memory_space<vmem>>
      %dma_start3A_240 = tpu.memref_slice %arg4[%mul3A_219] : memref<3200000xf32, #tpu.memory_space<hbm>> -> memref<512xf32, #tpu.memory_space<hbm>>
      tpu.enqueue_dma source(%dma_start3A_240 : memref<512xf32, #tpu.memory_space<hbm>>) target(%dma_start3A_239 : memref<512xf32, #tpu.memory_space<vmem>>) target_semaphore(%arg20 : memref<!tpu.dma_semaphore, #tpu.memory_space<semaphore_mem>>)
      %dma_start3A_241 = tpu.memref_slice %arg12[%mul3A_225] : memref<4096xf32, #tpu.memory_space<vmem>> -> memref<2048xf32, #tpu.memory_space<vmem>>
      %dma_start3A_242 = tpu.memref_slice %arg8[%mul3A_223] : memref<12800000xf32, #tpu.memory_space<hbm>> -> memref<2048xf32, #tpu.memory_space<hbm>>
      %dma_start3A_243 = tpu.memref_slice %arg12[%mul3A_225] : memref<4096xf32, #tpu.memory_space<vmem>> -> memref<2048xf32, #tpu.memory_space<vmem>>
      %dma_start3A_244 = tpu.memref_slice %arg8[%mul3A_223] : memref<12800000xf32, #tpu.memory_space<hbm>> -> memref<2048xf32, #tpu.memory_space<hbm>>
      tpu.enqueue_dma source(%dma_start3A_244 : memref<2048xf32, #tpu.memory_space<hbm>>) target(%dma_start3A_243 : memref<2048xf32, #tpu.memory_space<vmem>>) target_semaphore(%arg20 : memref<!tpu.dma_semaphore, #tpu.memory_space<semaphore_mem>>)
      %dma_start3A_245 = tpu.memref_slice %arg13[%mul3A_229] : memref<4096xf32, #tpu.memory_space<vmem>> -> memref<2048xf32, #tpu.memory_space<vmem>>
      %dma_start3A_246 = tpu.memref_slice %arg9[%mul3A_227] : memref<12800000xf32, #tpu.memory_space<hbm>> -> memref<2048xf32, #tpu.memory_space<hbm>>
      %dma_start3A_247 = tpu.memref_slice %arg13[%mul3A_229] : memref<4096xf32, #tpu.memory_space<vmem>> -> memref<2048xf32, #tpu.memory_space<vmem>>
      %dma_start3A_248 = tpu.memref_slice %arg9[%mul3A_227] : memref<12800000xf32, #tpu.memory_space<hbm>> -> memref<2048xf32, #tpu.memory_space<hbm>>
      tpu.enqueue_dma source(%dma_start3A_248 : memref<2048xf32, #tpu.memory_space<hbm>>) target(%dma_start3A_247 : memref<2048xf32, #tpu.memory_space<vmem>>) target_semaphore(%arg20 : memref<!tpu.dma_semaphore, #tpu.memory_space<semaphore_mem>>)
    } else {
    }
    "tpu.trace_start"() <{level = 10 : i32, message = "pass_z"}> : () -> ()
    %scan3A_102 = arith.constant 0 : i32
    %scan3A_103 = arith.constant 0 : i32
    %scan3A_104 = arith.constant 196 : i32
    %scan3A_105 = arith.addi %scan3A_103, %scan3A_104 : i32
    %scan3A_106 = arith.constant 1 : i32
    %scan3A_107 = scf.for %scan3A_209 = %scan3A_103 to %scan3A_105 step %scan3A_106 iter_args(%scan3A_210 = %scan3A_102) -> (i32)  : i32 {
      %mul3A_211 = arith.constant 32 : i32
      %mul3A_212 = arith.muli %scan3A_209, %mul3A_211 : i32
      %add3A_213 = arith.addi %add3A, %mul3A_212 : i32
      %and3A_214 = arith.constant 1 : i32
      %and3A_215 = arith.andi %scan3A_209, %and3A_214 : i32
      %add3A_216 = arith.constant 1 : i32
      %add3A_217 = arith.addi %scan3A_209, %add3A_216 : i32
      %mul3A_218 = arith.constant 32 : i32
      %mul3A_219 = arith.muli %add3A_217, %mul3A_218 : i32
      %add3A_220 = arith.addi %add3A, %mul3A_219 : i32
      %lt3A_221 = arith.constant 6250 : i32
      %lt3A_222 = arith.cmpi slt, %add3A_220, %lt3A_221 : i32
      %convert_element_type3A_223 = arith.extui %lt3A_222 : i1 to i32
      %cond3A_224 = arith.constant 0 : i32
      %cond3A_225 = arith.cmpi ne, %convert_element_type3A_223, %cond3A_224 : i32
      scf.if %cond3A_225 {
        %mul3A_232 = arith.constant 32 : i32
        %mul3A_233 = arith.muli %add3A_217, %mul3A_232 : i32
        %add3A_234 = arith.addi %add3A, %mul3A_233 : i32
        %and3A_235 = arith.constant 1 : i32
        %and3A_236 = arith.andi %add3A_217, %and3A_235 : i32
        %mul3A_237 = arith.constant 16 : i32
        %mul3A_238 = arith.muli %add3A_234, %mul3A_237 : i32
        %mul3A_239 = arith.constant 16 : i32
        %mul3A_240 = arith.muli %and3A_236, %mul3A_239 : i32
        %mul3A_241 = arith.constant 512 : i32
        %mul3A_242 = arith.muli %add3A_234, %mul3A_241 : i32
        %mul3A_243 = arith.constant 512 : i32
        %mul3A_244 = arith.muli %and3A_236, %mul3A_243 : i32
        %mul3A_245 = arith.constant 2048 : i32
        %mul3A_246 = arith.muli %add3A_234, %mul3A_245 : i32
        %mul3A_247 = arith.constant 2048 : i32
        %mul3A_248 = arith.muli %and3A_236, %mul3A_247 : i32
        %mul3A_249 = arith.constant 2048 : i32
        %mul3A_250 = arith.muli %add3A_234, %mul3A_249 : i32
        %mul3A_251 = arith.constant 2048 : i32
        %mul3A_252 = arith.muli %and3A_236, %mul3A_251 : i32
        %dma_start3A = arith.constant 0 : i32
        %dma_start3A_253 = tpu.memref_slice %arg11[%mul3A_240, %dma_start3A] : memref<32x128xi32, #tpu.memory_space<vmem>> -> memref<16x128xi32, #tpu.memory_space<vmem>>
        %dma_start3A_254 = arith.constant 0 : i32
        %dma_start3A_255 = tpu.memref_slice %arg3[%mul3A_238, %dma_start3A_254] : memref<100000x128xi32, #tpu.memory_space<hbm>> -> memref<16x128xi32, #tpu.memory_space<hbm>>
        %dma_start3A_256 = arith.constant 0 : i32
        %dma_start3A_257 = tpu.memref_slice %arg11[%mul3A_240, %dma_start3A_256] : memref<32x128xi32, #tpu.memory_space<vmem>> -> memref<16x128xi32, #tpu.memory_space<vmem>>
        %dma_start3A_258 = arith.constant 0 : i32
        %dma_start3A_259 = tpu.memref_slice %arg3[%mul3A_238, %dma_start3A_258] : memref<100000x128xi32, #tpu.memory_space<hbm>> -> memref<16x128xi32, #tpu.memory_space<hbm>>
        tpu.enqueue_dma source(%dma_start3A_259 : memref<16x128xi32, #tpu.memory_space<hbm>>) target(%dma_start3A_257 : memref<16x128xi32, #tpu.memory_space<vmem>>) target_semaphore(%arg20 : memref<!tpu.dma_semaphore, #tpu.memory_space<semaphore_mem>>)
        %dma_start3A_260 = tpu.memref_slice %arg14[%mul3A_244] : memref<1024xf32, #tpu.memory_space<vmem>> -> memref<512xf32, #tpu.memory_space<vmem>>
        %dma_start3A_261 = tpu.memref_slice %arg4[%mul3A_242] : memref<3200000xf32, #tpu.memory_space<hbm>> -> memref<512xf32, #tpu.memory_space<hbm>>
        %dma_start3A_262 = tpu.memref_slice %arg14[%mul3A_244] : memref<1024xf32, #tpu.memory_space<vmem>> -> memref<512xf32, #tpu.memory_space<vmem>>
        %dma_start3A_263 = tpu.memref_slice %arg4[%mul3A_242] : memref<3200000xf32, #tpu.memory_space<hbm>> -> memref<512xf32, #tpu.memory_space<hbm>>
        tpu.enqueue_dma source(%dma_start3A_263 : memref<512xf32, #tpu.memory_space<hbm>>) target(%dma_start3A_262 : memref<512xf32, #tpu.memory_space<vmem>>) target_semaphore(%arg20 : memref<!tpu.dma_semaphore, #tpu.memory_space<semaphore_mem>>)
        %dma_start3A_264 = tpu.memref_slice %arg12[%mul3A_248] : memref<4096xf32, #tpu.memory_space<vmem>> -> memref<2048xf32, #tpu.memory_space<vmem>>
        %dma_start3A_265 = tpu.memref_slice %arg8[%mul3A_246] : memref<12800000xf32, #tpu.memory_space<hbm>> -> memref<2048xf32, #tpu.memory_space<hbm>>
        %dma_start3A_266 = tpu.memref_slice %arg12[%mul3A_248] : memref<4096xf32, #tpu.memory_space<vmem>> -> memref<2048xf32, #tpu.memory_space<vmem>>
        %dma_start3A_267 = tpu.memref_slice %arg8[%mul3A_246] : memref<12800000xf32, #tpu.memory_space<hbm>> -> memref<2048xf32, #tpu.memory_space<hbm>>
        tpu.enqueue_dma source(%dma_start3A_267 : memref<2048xf32, #tpu.memory_space<hbm>>) target(%dma_start3A_266 : memref<2048xf32, #tpu.memory_space<vmem>>) target_semaphore(%arg20 : memref<!tpu.dma_semaphore, #tpu.memory_space<semaphore_mem>>)
        %dma_start3A_268 = tpu.memref_slice %arg13[%mul3A_252] : memref<4096xf32, #tpu.memory_space<vmem>> -> memref<2048xf32, #tpu.memory_space<vmem>>
        %dma_start3A_269 = tpu.memref_slice %arg9[%mul3A_250] : memref<12800000xf32, #tpu.memory_space<hbm>> -> memref<2048xf32, #tpu.memory_space<hbm>>
        %dma_start3A_270 = tpu.memref_slice %arg13[%mul3A_252] : memref<4096xf32, #tpu.memory_space<vmem>> -> memref<2048xf32, #tpu.memory_space<vmem>>
        %dma_start3A_271 = tpu.memref_slice %arg9[%mul3A_250] : memref<12800000xf32, #tpu.memory_space<hbm>> -> memref<2048xf32, #tpu.memory_space<hbm>>
        tpu.enqueue_dma source(%dma_start3A_271 : memref<2048xf32, #tpu.memory_space<hbm>>) target(%dma_start3A_270 : memref<2048xf32, #tpu.memory_space<vmem>>) target_semaphore(%arg20 : memref<!tpu.dma_semaphore, #tpu.memory_space<semaphore_mem>>)
      } else {
      }
      %lt3A_226 = arith.constant 6250 : i32
      %lt3A_227 = arith.cmpi slt, %add3A_213, %lt3A_226 : i32
      %convert_element_type3A_228 = arith.extui %lt3A_227 : i1 to i32
      %cond3A_229 = arith.constant 0 : i32
      %cond3A_230 = arith.cmpi ne, %convert_element_type3A_228, %cond3A_229 : i32
      scf.if %cond3A_230 {
        %mul3A_232 = arith.constant 32 : i32
        %mul3A_233 = arith.muli %scan3A_209, %mul3A_232 : i32
        %add3A_234 = arith.addi %add3A, %mul3A_233 : i32
        %and3A_235 = arith.constant 1 : i32
        %and3A_236 = arith.andi %scan3A_209, %and3A_235 : i32
        %mul3A_237 = arith.constant 16 : i32
        %mul3A_238 = arith.muli %add3A_234, %mul3A_237 : i32
        %mul3A_239 = arith.constant 16 : i32
        %mul3A_240 = arith.muli %and3A_236, %mul3A_239 : i32
        %mul3A_241 = arith.constant 512 : i32
        %mul3A_242 = arith.muli %add3A_234, %mul3A_241 : i32
        %mul3A_243 = arith.constant 512 : i32
        %mul3A_244 = arith.muli %and3A_236, %mul3A_243 : i32
        %mul3A_245 = arith.constant 2048 : i32
        %mul3A_246 = arith.muli %add3A_234, %mul3A_245 : i32
        %mul3A_247 = arith.constant 2048 : i32
        %mul3A_248 = arith.muli %and3A_236, %mul3A_247 : i32
        %mul3A_249 = arith.constant 2048 : i32
        %mul3A_250 = arith.muli %add3A_234, %mul3A_249 : i32
        %mul3A_251 = arith.constant 2048 : i32
        %mul3A_252 = arith.muli %and3A_236, %mul3A_251 : i32
        %dma_wait3A = arith.constant 0 : i32
        %dma_wait3A_253 = tpu.memref_slice %arg11[%mul3A_240, %dma_wait3A] : memref<32x128xi32, #tpu.memory_space<vmem>> -> memref<16x128xi32, #tpu.memory_space<vmem>>
        %dma_wait3A_254 = arith.constant 0 : i32
        %dma_wait3A_255 = tpu.memref_slice %arg3[%mul3A_238, %dma_wait3A_254] : memref<100000x128xi32, #tpu.memory_space<hbm>> -> memref<16x128xi32, #tpu.memory_space<hbm>>
        %dma_wait3A_256 = arith.constant 0 : i32
        %dma_wait3A_257 = tpu.memref_slice %arg11[%mul3A_240, %dma_wait3A_256] : memref<32x128xi32, #tpu.memory_space<vmem>> -> memref<16x128xi32, #tpu.memory_space<vmem>>
        %dma_wait3A_258 = arith.constant 0 : i32
        %dma_wait3A_259 = tpu.memref_slice %arg3[%mul3A_238, %dma_wait3A_258] : memref<100000x128xi32, #tpu.memory_space<hbm>> -> memref<16x128xi32, #tpu.memory_space<hbm>>
        tpu.wait_dma2 semaphore(%arg20 : memref<!tpu.dma_semaphore, #tpu.memory_space<semaphore_mem>>) src(%dma_wait3A_259 : memref<16x128xi32, #tpu.memory_space<hbm>>) dst(%dma_wait3A_257 : memref<16x128xi32, #tpu.memory_space<vmem>>)
        %dma_wait3A_260 = tpu.memref_slice %arg14[%mul3A_244] : memref<1024xf32, #tpu.memory_space<vmem>> -> memref<512xf32, #tpu.memory_space<vmem>>
        %dma_wait3A_261 = tpu.memref_slice %arg4[%mul3A_242] : memref<3200000xf32, #tpu.memory_space<hbm>> -> memref<512xf32, #tpu.memory_space<hbm>>
        %dma_wait3A_262 = tpu.memref_slice %arg14[%mul3A_244] : memref<1024xf32, #tpu.memory_space<vmem>> -> memref<512xf32, #tpu.memory_space<vmem>>
        %dma_wait3A_263 = tpu.memref_slice %arg4[%mul3A_242] : memref<3200000xf32, #tpu.memory_space<hbm>> -> memref<512xf32, #tpu.memory_space<hbm>>
        tpu.wait_dma2 semaphore(%arg20 : memref<!tpu.dma_semaphore, #tpu.memory_space<semaphore_mem>>) src(%dma_wait3A_263 : memref<512xf32, #tpu.memory_space<hbm>>) dst(%dma_wait3A_262 : memref<512xf32, #tpu.memory_space<vmem>>)
        %dma_wait3A_264 = tpu.memref_slice %arg12[%mul3A_248] : memref<4096xf32, #tpu.memory_space<vmem>> -> memref<2048xf32, #tpu.memory_space<vmem>>
        %dma_wait3A_265 = tpu.memref_slice %arg8[%mul3A_246] : memref<12800000xf32, #tpu.memory_space<hbm>> -> memref<2048xf32, #tpu.memory_space<hbm>>
        %dma_wait3A_266 = tpu.memref_slice %arg12[%mul3A_248] : memref<4096xf32, #tpu.memory_space<vmem>> -> memref<2048xf32, #tpu.memory_space<vmem>>
        %dma_wait3A_267 = tpu.memref_slice %arg8[%mul3A_246] : memref<12800000xf32, #tpu.memory_space<hbm>> -> memref<2048xf32, #tpu.memory_space<hbm>>
        tpu.wait_dma2 semaphore(%arg20 : memref<!tpu.dma_semaphore, #tpu.memory_space<semaphore_mem>>) src(%dma_wait3A_267 : memref<2048xf32, #tpu.memory_space<hbm>>) dst(%dma_wait3A_266 : memref<2048xf32, #tpu.memory_space<vmem>>)
        %dma_wait3A_268 = tpu.memref_slice %arg13[%mul3A_252] : memref<4096xf32, #tpu.memory_space<vmem>> -> memref<2048xf32, #tpu.memory_space<vmem>>
        %dma_wait3A_269 = tpu.memref_slice %arg9[%mul3A_250] : memref<12800000xf32, #tpu.memory_space<hbm>> -> memref<2048xf32, #tpu.memory_space<hbm>>
        %dma_wait3A_270 = tpu.memref_slice %arg13[%mul3A_252] : memref<4096xf32, #tpu.memory_space<vmem>> -> memref<2048xf32, #tpu.memory_space<vmem>>
        %dma_wait3A_271 = tpu.memref_slice %arg9[%mul3A_250] : memref<12800000xf32, #tpu.memory_space<hbm>> -> memref<2048xf32, #tpu.memory_space<hbm>>
        tpu.wait_dma2 semaphore(%arg20 : memref<!tpu.dma_semaphore, #tpu.memory_space<semaphore_mem>>) src(%dma_wait3A_271 : memref<2048xf32, #tpu.memory_space<hbm>>) dst(%dma_wait3A_270 : memref<2048xf32, #tpu.memory_space<vmem>>)
        %ge3A_272 = arith.constant 2 : i32
        %ge3A_273 = arith.cmpi sge, %scan3A_209, %ge3A_272 : i32
        %convert_element_type3A_274 = arith.extui %ge3A_273 : i1 to i32
        %cond3A_275 = arith.constant 0 : i32
        %cond3A_276 = arith.cmpi ne, %convert_element_type3A_274, %cond3A_275 : i32
        scf.if %cond3A_276 {
          %sub3A = arith.constant 2 : i32
          %sub3A_304 = arith.subi %scan3A_209, %sub3A : i32
          %mul3A_305 = arith.constant 32 : i32
          %mul3A_306 = arith.muli %sub3A_304, %mul3A_305 : i32
          %add3A_307 = arith.addi %add3A, %mul3A_306 : i32
          %and3A_308 = arith.constant 1 : i32
          %and3A_309 = arith.andi %sub3A_304, %and3A_308 : i32
          %mul3A_310 = arith.constant 512 : i32
          %mul3A_311 = arith.muli %and3A_309, %mul3A_310 : i32
          %mul3A_312 = arith.constant 512 : i32
          %mul3A_313 = arith.muli %add3A_307, %mul3A_312 : i32
          %mul3A_314 = arith.constant 512 : i32
          %mul3A_315 = arith.muli %and3A_309, %mul3A_314 : i32
          %mul3A_316 = arith.constant 512 : i32
          %mul3A_317 = arith.muli %add3A_307, %mul3A_316 : i32
          %dma_wait3A_318 = tpu.memref_slice %arg15[%mul3A_311] : memref<1024xf32, #tpu.memory_space<vmem>> -> memref<512xf32, #tpu.memory_space<vmem>>
          %dma_wait3A_319 = tpu.memref_slice %arg5[%mul3A_313] : memref<3200000xf32, #tpu.memory_space<hbm>> -> memref<512xf32, #tpu.memory_space<hbm>>
          %dma_wait3A_320 = tpu.memref_slice %arg5[%mul3A_313] : memref<3200000xf32, #tpu.memory_space<hbm>> -> memref<512xf32, #tpu.memory_space<hbm>>
          %dma_wait3A_321 = tpu.memref_slice %arg15[%mul3A_311] : memref<1024xf32, #tpu.memory_space<vmem>> -> memref<512xf32, #tpu.memory_space<vmem>>
          tpu.wait_dma2 semaphore(%arg21 : memref<!tpu.dma_semaphore, #tpu.memory_space<semaphore_mem>>) src(%dma_wait3A_321 : memref<512xf32, #tpu.memory_space<vmem>>) dst(%dma_wait3A_320 : memref<512xf32, #tpu.memory_space<hbm>>)
          %dma_wait3A_322 = tpu.memref_slice %arg16[%mul3A_315] : memref<1024xf32, #tpu.memory_space<vmem>> -> memref<512xf32, #tpu.memory_space<vmem>>
          %dma_wait3A_323 = tpu.memref_slice %arg6[%mul3A_317] : memref<3200000xf32, #tpu.memory_space<hbm>> -> memref<512xf32, #tpu.memory_space<hbm>>
          %dma_wait3A_324 = tpu.memref_slice %arg6[%mul3A_317] : memref<3200000xf32, #tpu.memory_space<hbm>> -> memref<512xf32, #tpu.memory_space<hbm>>
          %dma_wait3A_325 = tpu.memref_slice %arg16[%mul3A_315] : memref<1024xf32, #tpu.memory_space<vmem>> -> memref<512xf32, #tpu.memory_space<vmem>>
          tpu.wait_dma2 semaphore(%arg21 : memref<!tpu.dma_semaphore, #tpu.memory_space<semaphore_mem>>) src(%dma_wait3A_325 : memref<512xf32, #tpu.memory_space<vmem>>) dst(%dma_wait3A_324 : memref<512xf32, #tpu.memory_space<hbm>>)
        } else {
        }
        %scan3A_277 = arith.constant 0 : i32
        %scan3A_278 = arith.constant 0 : i32
        %scan3A_279 = arith.constant 32 : i32
        %scan3A_280 = arith.addi %scan3A_278, %scan3A_279 : i32
        %scan3A_281 = arith.constant 1 : i32
        %scan3A_282 = scf.for %scan3A_304 = %scan3A_278 to %scan3A_280 step %scan3A_281 iter_args(%scan3A_305 = %scan3A_277) -> (i32)  : i32 {
          %mul3A_306 = arith.constant 16 : i32
          %mul3A_307 = arith.muli %and3A_215, %mul3A_306 : i32
          %shift_right_logical3A = arith.constant 3 : i32
          %shift_right_logical3A_308 = arith.shrui %scan3A_304, %shift_right_logical3A : i32
          %mul3A_309 = arith.constant 4 : i32
          %mul3A_310 = arith.muli %shift_right_logical3A_308, %mul3A_309 : i32
          %add3A_311 = arith.addi %mul3A_307, %mul3A_310 : i32
          %and3A_312 = arith.constant 7 : i32
          %and3A_313 = arith.andi %scan3A_304, %and3A_312 : i32
          %mul3A_314 = arith.constant 16 : i32
          %mul3A_315 = arith.muli %and3A_313, %mul3A_314 : i32
          %mul3A_316 = arith.constant 2048 : i32
          %mul3A_317 = arith.muli %and3A_215, %mul3A_316 : i32
          %shift_right_logical3A_318 = arith.constant 3 : i32
          %shift_right_logical3A_319 = arith.shrui %scan3A_304, %shift_right_logical3A_318 : i32
          %mul3A_320 = arith.constant 512 : i32
          %mul3A_321 = arith.muli %shift_right_logical3A_319, %mul3A_320 : i32
          %add3A_322 = arith.addi %mul3A_317, %mul3A_321 : i32
          %and3A_323 = arith.constant 7 : i32
          %and3A_324 = arith.andi %scan3A_304, %and3A_323 : i32
          %mul3A_325 = arith.constant 16 : i32
          %mul3A_326 = arith.muli %and3A_324, %mul3A_325 : i32
          %add3A_327 = arith.addi %add3A_322, %mul3A_326 : i32
          %add3A_328 = arith.constant 0 : i32
          %add3A_329 = arith.addi %add3A_327, %add3A_328 : i32
          %get3A = arith.index_cast %add3A_329 : i32 to index
          %get3A_330 = tpu.vector_load %arg12[%get3A] {strides = array<i32>} : memref<4096xf32, #tpu.memory_space<vmem>>, vector<16xf32>,
          %get3A_331 = arith.index_cast %add3A_329 : i32 to index
          %get3A_332 = tpu.vector_load %arg13[%get3A_331] {strides = array<i32>} : memref<4096xf32, #tpu.memory_space<vmem>>, vector<16xf32>,
          %add3A_333 = arith.constant 0 : i32
          %add3A_334 = arith.addi %add3A_311, %add3A_333 : i32
          %get3A_335 = arith.index_cast %add3A_334 : i32 to index
          %get3A_336 = arith.index_cast %mul3A_315 : i32 to index
          %get3A_337 = tpu.vector_load %arg11[%get3A_335, %get3A_336] {strides = array<i32>} : memref<32x128xi32, #tpu.memory_space<vmem>>, vector<16xi32>,
          %gather3A = tpu.vector_load_idx %arg10[%get3A_337] : memref<100352xf32, #tpu.memory_space<vmem>>[vector<16xi32>], vector<16xf32>,
          %add3A_338 = arith.constant 128 : i32
          %add3A_339 = arith.addi %add3A_327, %add3A_338 : i32
          %get3A_340 = arith.index_cast %add3A_339 : i32 to index
          %get3A_341 = tpu.vector_load %arg12[%get3A_340] {strides = array<i32>} : memref<4096xf32, #tpu.memory_space<vmem>>, vector<16xf32>,
          %get3A_342 = arith.index_cast %add3A_339 : i32 to index
          %get3A_343 = tpu.vector_load %arg13[%get3A_342] {strides = array<i32>} : memref<4096xf32, #tpu.memory_space<vmem>>, vector<16xf32>,
          %add3A_344 = arith.constant 1 : i32
          %add3A_345 = arith.addi %add3A_311, %add3A_344 : i32
          %get3A_346 = arith.index_cast %add3A_345 : i32 to index
          %get3A_347 = arith.index_cast %mul3A_315 : i32 to index
          %get3A_348 = tpu.vector_load %arg11[%get3A_346, %get3A_347] {strides = array<i32>} : memref<32x128xi32, #tpu.memory_space<vmem>>, vector<16xi32>,
          %gather3A_349 = tpu.vector_load_idx %arg10[%get3A_348] : memref<100352xf32, #tpu.memory_space<vmem>>[vector<16xi32>], vector<16xf32>,
          %add3A_350 = arith.constant 256 : i32
          %add3A_351 = arith.addi %add3A_327, %add3A_350 : i32
          %get3A_352 = arith.index_cast %add3A_351 : i32 to index
          %get3A_353 = tpu.vector_load %arg12[%get3A_352] {strides = array<i32>} : memref<4096xf32, #tpu.memory_space<vmem>>, vector<16xf32>,
          %get3A_354 = arith.index_cast %add3A_351 : i32 to index
          %get3A_355 = tpu.vector_load %arg13[%get3A_354] {strides = array<i32>} : memref<4096xf32, #tpu.memory_space<vmem>>, vector<16xf32>,
          %add3A_356 = arith.constant 2 : i32
          %add3A_357 = arith.addi %add3A_311, %add3A_356 : i32
          %get3A_358 = arith.index_cast %add3A_357 : i32 to index
          %get3A_359 = arith.index_cast %mul3A_315 : i32 to index
          %get3A_360 = tpu.vector_load %arg11[%get3A_358, %get3A_359] {strides = array<i32>} : memref<32x128xi32, #tpu.memory_space<vmem>>, vector<16xi32>,
          %gather3A_361 = tpu.vector_load_idx %arg10[%get3A_360] : memref<100352xf32, #tpu.memory_space<vmem>>[vector<16xi32>], vector<16xf32>,
          %add3A_362 = arith.constant 384 : i32
          %add3A_363 = arith.addi %add3A_327, %add3A_362 : i32
          %get3A_364 = arith.index_cast %add3A_363 : i32 to index
          %get3A_365 = tpu.vector_load %arg12[%get3A_364] {strides = array<i32>} : memref<4096xf32, #tpu.memory_space<vmem>>, vector<16xf32>,
          %get3A_366 = arith.index_cast %add3A_363 : i32 to index
          %get3A_367 = tpu.vector_load %arg13[%get3A_366] {strides = array<i32>} : memref<4096xf32, #tpu.memory_space<vmem>>, vector<16xf32>,
          %add3A_368 = arith.constant 3 : i32
          %add3A_369 = arith.addi %add3A_311, %add3A_368 : i32
          %get3A_370 = arith.index_cast %add3A_369 : i32 to index
          %get3A_371 = arith.index_cast %mul3A_315 : i32 to index
          %get3A_372 = tpu.vector_load %arg11[%get3A_370, %get3A_371] {strides = array<i32>} : memref<32x128xi32, #tpu.memory_space<vmem>>, vector<16xi32>,
          %gather3A_373 = tpu.vector_load_idx %arg10[%get3A_372] : memref<100352xf32, #tpu.memory_space<vmem>>[vector<16xi32>], vector<16xf32>,
          %sub3A = arith.subf %get3A_341, %get3A_330 : vector<16xf32>
          %sub3A_374 = arith.subf %get3A_343, %get3A_332 : vector<16xf32>
          %sub3A_375 = arith.subf %gather3A_349, %gather3A : vector<16xf32>
          %sub3A_376 = arith.subf %get3A_353, %get3A_330 : vector<16xf32>
          %sub3A_377 = arith.subf %get3A_355, %get3A_332 : vector<16xf32>
          %sub3A_378 = arith.subf %gather3A_361, %gather3A : vector<16xf32>
          %sub3A_379 = arith.subf %get3A_365, %get3A_330 : vector<16xf32>
          %sub3A_380 = arith.subf %get3A_367, %get3A_332 : vector<16xf32>
          %sub3A_381 = arith.subf %gather3A_373, %gather3A : vector<16xf32>
          %mul3A_382 = arith.mulf %sub3A_377, %sub3A_381 : vector<16xf32>
          %mul3A_383 = arith.mulf %sub3A_378, %sub3A_380 : vector<16xf32>
          %sub3A_384 = arith.subf %mul3A_382, %mul3A_383 : vector<16xf32>
          %mul3A_385 = arith.mulf %sub3A, %sub3A_384 : vector<16xf32>
          %mul3A_386 = arith.mulf %sub3A_376, %sub3A_381 : vector<16xf32>
          %mul3A_387 = arith.mulf %sub3A_378, %sub3A_379 : vector<16xf32>
          %sub3A_388 = arith.subf %mul3A_386, %mul3A_387 : vector<16xf32>
          %mul3A_389 = arith.mulf %sub3A_374, %sub3A_388 : vector<16xf32>
          %sub3A_390 = arith.subf %mul3A_385, %mul3A_389 : vector<16xf32>
          %mul3A_391 = arith.mulf %sub3A_376, %sub3A_380 : vector<16xf32>
          %mul3A_392 = arith.mulf %sub3A_377, %sub3A_379 : vector<16xf32>
          %sub3A_393 = arith.subf %mul3A_391, %mul3A_392 : vector<16xf32>
          %mul3A_394 = arith.mulf %sub3A_375, %sub3A_393 : vector<16xf32>
          %add3A_395 = arith.addf %sub3A_390, %mul3A_394 : vector<16xf32>
          %abs3A = math.absf %add3A_395 : vector<16xf32>
          %mul3A_396 = arith.constant 0.166666672 : f32
          %mul3A_397 = vector.broadcast %mul3A_396 : f32 to vector<16xf32>
          %mul3A_398 = arith.mulf %abs3A, %mul3A_397 : vector<16xf32>
          %mul3A_399 = arith.constant 512 : i32
          %mul3A_400 = arith.muli %and3A_215, %mul3A_399 : i32
          %mul3A_401 = arith.constant 16 : i32
          %mul3A_402 = arith.muli %scan3A_304, %mul3A_401 : i32
          %add3A_403 = arith.addi %mul3A_400, %mul3A_402 : i32
          %swap3A = arith.index_cast %add3A_403 : i32 to index
          %swap3A_404 = tpu.vector_load %arg15[%swap3A] {strides = array<i32>} : memref<1024xf32, #tpu.memory_space<vmem>>, vector<16xf32>,
          tpu.vector_store %arg15[%swap3A], %mul3A_398 {strides = array<i32>} : memref<1024xf32, #tpu.memory_space<vmem>>, vector<16xf32>,
          %sub3A_405 = arith.subf %sub3A_376, %sub3A : vector<16xf32>
          %sub3A_406 = arith.subf %sub3A_377, %sub3A_374 : vector<16xf32>
          %sub3A_407 = arith.subf %sub3A_378, %sub3A_375 : vector<16xf32>
          %sub3A_408 = arith.subf %sub3A_379, %sub3A : vector<16xf32>
          %sub3A_409 = arith.subf %sub3A_380, %sub3A_374 : vector<16xf32>
          %sub3A_410 = arith.subf %sub3A_381, %sub3A_375 : vector<16xf32>
          %sub3A_411 = arith.subf %sub3A_379, %sub3A_376 : vector<16xf32>
          %sub3A_412 = arith.subf %sub3A_380, %sub3A_377 : vector<16xf32>
          %sub3A_413 = arith.subf %sub3A_381, %sub3A_378 : vector<16xf32>
          %mul3A_414 = arith.mulf %sub3A, %sub3A : vector<16xf32>
          %mul3A_415 = arith.mulf %sub3A_374, %sub3A_374 : vector<16xf32>
          %add3A_416 = arith.addf %mul3A_414, %mul3A_415 : vector<16xf32>
          %mul3A_417 = arith.mulf %sub3A_375, %sub3A_375 : vector<16xf32>
          %add3A_418 = arith.addf %add3A_416, %mul3A_417 : vector<16xf32>
          %mul3A_419 = arith.mulf %sub3A_376, %sub3A_376 : vector<16xf32>
          %mul3A_420 = arith.mulf %sub3A_377, %sub3A_377 : vector<16xf32>
          %add3A_421 = arith.addf %mul3A_419, %mul3A_420 : vector<16xf32>
          %mul3A_422 = arith.mulf %sub3A_378, %sub3A_378 : vector<16xf32>
          %add3A_423 = arith.addf %add3A_421, %mul3A_422 : vector<16xf32>
          %min3A = arith.minimumf %add3A_418, %add3A_423 : vector<16xf32>
          %mul3A_424 = arith.mulf %sub3A_379, %sub3A_379 : vector<16xf32>
          %mul3A_425 = arith.mulf %sub3A_380, %sub3A_380 : vector<16xf32>
          %add3A_426 = arith.addf %mul3A_424, %mul3A_425 : vector<16xf32>
          %mul3A_427 = arith.mulf %sub3A_381, %sub3A_381 : vector<16xf32>
          %add3A_428 = arith.addf %add3A_426, %mul3A_427 : vector<16xf32>
          %mul3A_429 = arith.mulf %sub3A_405, %sub3A_405 : vector<16xf32>
          %mul3A_430 = arith.mulf %sub3A_406, %sub3A_406 : vector<16xf32>
          %add3A_431 = arith.addf %mul3A_429, %mul3A_430 : vector<16xf32>
          %mul3A_432 = arith.mulf %sub3A_407, %sub3A_407 : vector<16xf32>
          %add3A_433 = arith.addf %add3A_431, %mul3A_432 : vector<16xf32>
          %min3A_434 = arith.minimumf %add3A_428, %add3A_433 : vector<16xf32>
          %min3A_435 = arith.minimumf %min3A, %min3A_434 : vector<16xf32>
          %mul3A_436 = arith.mulf %sub3A_408, %sub3A_408 : vector<16xf32>
          %mul3A_437 = arith.mulf %sub3A_409, %sub3A_409 : vector<16xf32>
          %add3A_438 = arith.addf %mul3A_436, %mul3A_437 : vector<16xf32>
          %mul3A_439 = arith.mulf %sub3A_410, %sub3A_410 : vector<16xf32>
          %add3A_440 = arith.addf %add3A_438, %mul3A_439 : vector<16xf32>
          %mul3A_441 = arith.mulf %sub3A_411, %sub3A_411 : vector<16xf32>
          %mul3A_442 = arith.mulf %sub3A_412, %sub3A_412 : vector<16xf32>
          %add3A_443 = arith.addf %mul3A_441, %mul3A_442 : vector<16xf32>
          %mul3A_444 = arith.mulf %sub3A_413, %sub3A_413 : vector<16xf32>
          %add3A_445 = arith.addf %add3A_443, %mul3A_444 : vector<16xf32>
          %min3A_446 = arith.minimumf %add3A_440, %add3A_445 : vector<16xf32>
          %min3A_447 = arith.minimumf %min3A_435, %min3A_446 : vector<16xf32>
          %max3A = arith.constant 1.000000e-24 : f32
          %max3A_448 = vector.broadcast %max3A : f32 to vector<16xf32>
          %max3A_449 = arith.maximumf %min3A_447, %max3A_448 : vector<16xf32>
          %bitcast3A = vector.bitcast %max3A_449 : vector<16xf32> to vector<16xi32>
          %shift_right_arithmetic3A = arith.constant 1 : i32
          %shift_right_arithmetic3A_450 = vector.broadcast %shift_right_arithmetic3A : i32 to vector<16xi32>
          %shift_right_arithmetic3A_451 = arith.shrsi %bitcast3A, %shift_right_arithmetic3A_450 : vector<16xi32>
          %sub3A_452 = arith.constant 1597463007 : i32
          %sub3A_453 = vector.broadcast %sub3A_452 : i32 to vector<16xi32>
          %sub3A_454 = arith.subi %sub3A_453, %shift_right_arithmetic3A_451 : vector<16xi32>
          %bitcast3A_455 = vector.bitcast %sub3A_454 : vector<16xi32> to vector<16xf32>
          %mul3A_456 = arith.constant 5.000000e-01 : f32
          %mul3A_457 = vector.broadcast %mul3A_456 : f32 to vector<16xf32>
          %mul3A_458 = arith.mulf %mul3A_457, %max3A_449 : vector<16xf32>
          %mul3A_459 = arith.mulf %mul3A_458, %bitcast3A_455 : vector<16xf32>
          %mul3A_460 = arith.mulf %mul3A_459, %bitcast3A_455 : vector<16xf32>
          %sub3A_461 = arith.constant 1.500000e+00 : f32
          %sub3A_462 = vector.broadcast %sub3A_461 : f32 to vector<16xf32>
          %sub3A_463 = arith.subf %sub3A_462, %mul3A_460 : vector<16xf32>
          %mul3A_464 = arith.mulf %bitcast3A_455, %sub3A_463 : vector<16xf32>
          %mul3A_465 = arith.constant 5.000000e-01 : f32
          %mul3A_466 = vector.broadcast %mul3A_465 : f32 to vector<16xf32>
          %mul3A_467 = arith.mulf %mul3A_466, %max3A_449 : vector<16xf32>
          %mul3A_468 = arith.mulf %mul3A_467, %mul3A_464 : vector<16xf32>
          %mul3A_469 = arith.mulf %mul3A_468, %mul3A_464 : vector<16xf32>
          %sub3A_470 = arith.constant 1.500000e+00 : f32
          %sub3A_471 = vector.broadcast %sub3A_470 : f32 to vector<16xf32>
          %sub3A_472 = arith.subf %sub3A_471, %mul3A_469 : vector<16xf32>
          %mul3A_473 = arith.mulf %mul3A_464, %sub3A_472 : vector<16xf32>
          %mul3A_474 = arith.constant 5.000000e-01 : f32
          %mul3A_475 = vector.broadcast %mul3A_474 : f32 to vector<16xf32>
          %mul3A_476 = arith.mulf %mul3A_475, %max3A_449 : vector<16xf32>
          %mul3A_477 = arith.mulf %mul3A_476, %mul3A_473 : vector<16xf32>
          %mul3A_478 = arith.mulf %mul3A_477, %mul3A_473 : vector<16xf32>
          %sub3A_479 = arith.constant 1.500000e+00 : f32
          %sub3A_480 = vector.broadcast %sub3A_479 : f32 to vector<16xf32>
          %sub3A_481 = arith.subf %sub3A_480, %mul3A_478 : vector<16xf32>
          %mul3A_482 = arith.mulf %mul3A_473, %sub3A_481 : vector<16xf32>
          %mul3A_483 = arith.mulf %max3A_449, %mul3A_482 : vector<16xf32>
          %mul3A_484 = arith.constant 512 : i32
          %mul3A_485 = arith.muli %and3A_215, %mul3A_484 : i32
          %mul3A_486 = arith.constant 16 : i32
          %mul3A_487 = arith.muli %scan3A_304, %mul3A_486 : i32
          %add3A_488 = arith.addi %mul3A_485, %mul3A_487 : i32
          %get3A_489 = arith.index_cast %add3A_488 : i32 to index
          %get3A_490 = tpu.vector_load %arg14[%get3A_489] {strides = array<i32>} : memref<1024xf32, #tpu.memory_space<vmem>>, vector<16xf32>,
          %neg3A = arith.constant 0.000000e+00 : f32
          %neg3A_491 = vector.broadcast %neg3A : f32 to vector<16xf32>
          %neg3A_492 = arith.subf %neg3A_491, %get3A_490 : vector<16xf32>
          %mul3A_493 = arith.mulf %neg3A_492, %mul3A_483 : vector<16xf32>
          %exp3A = math.exp %mul3A_493 : vector<16xf32>
          %sub3A_494 = arith.constant 1.000000e+00 : f32
          %sub3A_495 = vector.broadcast %sub3A_494 : f32 to vector<16xf32>
          %sub3A_496 = arith.subf %sub3A_495, %exp3A : vector<16xf32>
          %mul3A_497 = arith.constant 512 : i32
          %mul3A_498 = arith.muli %and3A_215, %mul3A_497 : i32
          %mul3A_499 = arith.constant 16 : i32
          %mul3A_500 = arith.muli %scan3A_304, %mul3A_499 : i32
          %add3A_501 = arith.addi %mul3A_498, %mul3A_500 : i32
          %swap3A_502 = arith.index_cast %add3A_501 : i32 to index
          %swap3A_503 = tpu.vector_load %arg16[%swap3A_502] {strides = array<i32>} : memref<1024xf32, #tpu.memory_space<vmem>>, vector<16xf32>,
          tpu.vector_store %arg16[%swap3A_502], %sub3A_496 {strides = array<i32>} : memref<1024xf32, #tpu.memory_space<vmem>>, vector<16xf32>,
          %scan3A_504 = arith.constant 0 : i32
          scf.yield %scan3A_504 : i32
        }
        %scan3A_283 = arith.constant 32 : i32
        %mul3A_284 = arith.constant 32 : i32
        %mul3A_285 = arith.muli %scan3A_209, %mul3A_284 : i32
        %add3A_286 = arith.addi %add3A, %mul3A_285 : i32
        %and3A_287 = arith.constant 1 : i32
        %and3A_288 = arith.andi %scan3A_209, %and3A_287 : i32
        %mul3A_289 = arith.constant 512 : i32
        %mul3A_290 = arith.muli %and3A_288, %mul3A_289 : i32
        %mul3A_291 = arith.constant 512 : i32
        %mul3A_292 = arith.muli %add3A_286, %mul3A_291 : i32
        %mul3A_293 = arith.constant 512 : i32
        %mul3A_294 = arith.muli %and3A_288, %mul3A_293 : i32
        %mul3A_295 = arith.constant 512 : i32
        %mul3A_296 = arith.muli %add3A_286, %mul3A_295 : i32
        %dma_start3A = tpu.memref_slice %arg15[%mul3A_290] : memref<1024xf32, #tpu.memory_space<vmem>> -> memref<512xf32, #tpu.memory_space<vmem>>
        %dma_start3A_297 = tpu.memref_slice %arg5[%mul3A_292] : memref<3200000xf32, #tpu.memory_space<hbm>> -> memref<512xf32, #tpu.memory_space<hbm>>
        %dma_start3A_298 = tpu.memref_slice %arg5[%mul3A_292] : memref<3200000xf32, #tpu.memory_space<hbm>> -> memref<512xf32, #tpu.memory_space<hbm>>
        %dma_start3A_299 = tpu.memref_slice %arg15[%mul3A_290] : memref<1024xf32, #tpu.memory_space<vmem>> -> memref<512xf32, #tpu.memory_space<vmem>>
        tpu.enqueue_dma source(%dma_start3A_299 : memref<512xf32, #tpu.memory_space<vmem>>) target(%dma_start3A_298 : memref<512xf32, #tpu.memory_space<hbm>>) target_semaphore(%arg21 : memref<!tpu.dma_semaphore, #tpu.memory_space<semaphore_mem>>)
        %dma_start3A_300 = tpu.memref_slice %arg16[%mul3A_294] : memref<1024xf32, #tpu.memory_space<vmem>> -> memref<512xf32, #tpu.memory_space<vmem>>
        %dma_start3A_301 = tpu.memref_slice %arg6[%mul3A_296] : memref<3200000xf32, #tpu.memory_space<hbm>> -> memref<512xf32, #tpu.memory_space<hbm>>
        %dma_start3A_302 = tpu.memref_slice %arg6[%mul3A_296] : memref<3200000xf32, #tpu.memory_space<hbm>> -> memref<512xf32, #tpu.memory_space<hbm>>
        %dma_start3A_303 = tpu.memref_slice %arg16[%mul3A_294] : memref<1024xf32, #tpu.memory_space<vmem>> -> memref<512xf32, #tpu.memory_space<vmem>>
        tpu.enqueue_dma source(%dma_start3A_303 : memref<512xf32, #tpu.memory_space<vmem>>) target(%dma_start3A_302 : memref<512xf32, #tpu.memory_space<hbm>>) target_semaphore(%arg21 : memref<!tpu.dma_semaphore, #tpu.memory_space<semaphore_mem>>)
      } else {
      }
      %scan3A_231 = arith.constant 0 : i32
      scf.yield %scan3A_231 : i32
    }
    %scan3A_108 = arith.constant 196 : i32
    "tpu.trace_stop"() : () -> ()
    %add3A_109 = arith.constant 6176 : i32
    %add3A_110 = arith.addi %add3A, %add3A_109 : i32
    %lt3A_111 = arith.constant 6250 : i32
    %lt3A_112 = arith.cmpi slt, %add3A_110, %lt3A_111 : i32
    %add3A_113 = arith.constant 6240 : i32
    %add3A_114 = arith.addi %add3A, %add3A_113 : i32
    %ge3A_115 = arith.constant 6250 : i32
    %ge3A_116 = arith.cmpi sge, %add3A_114, %ge3A_115 : i32
    %and3A_117 = arith.andi %lt3A_112, %ge3A_116 : i1
    %convert_element_type3A_118 = arith.extui %and3A_117 : i1 to i32
    %cond3A_119 = arith.constant 0 : i32
    %cond3A_120 = arith.cmpi ne, %convert_element_type3A_118, %cond3A_119 : i32
    scf.if %cond3A_120 {
      %add3A_209 = arith.constant 6176 : i32
      %add3A_210 = arith.addi %add3A, %add3A_209 : i32
      %and3A_211 = arith.constant 193 : i32
      %and3A_212 = arith.constant 1 : i32
      %and3A_213 = arith.andi %and3A_211, %and3A_212 : i32
      %mul3A_214 = arith.constant 512 : i32
      %mul3A_215 = arith.muli %and3A_213, %mul3A_214 : i32
      %mul3A_216 = arith.constant 512 : i32
      %mul3A_217 = arith.muli %add3A_210, %mul3A_216 : i32
      %mul3A_218 = arith.constant 512 : i32
      %mul3A_219 = arith.muli %and3A_213, %mul3A_218 : i32
      %mul3A_220 = arith.constant 512 : i32
      %mul3A_221 = arith.muli %add3A_210, %mul3A_220 : i32
      %dma_wait3A = tpu.memref_slice %arg15[%mul3A_215] : memref<1024xf32, #tpu.memory_space<vmem>> -> memref<512xf32, #tpu.memory_space<vmem>>
      %dma_wait3A_222 = tpu.memref_slice %arg5[%mul3A_217] : memref<3200000xf32, #tpu.memory_space<hbm>> -> memref<512xf32, #tpu.memory_space<hbm>>
      %dma_wait3A_223 = tpu.memref_slice %arg5[%mul3A_217] : memref<3200000xf32, #tpu.memory_space<hbm>> -> memref<512xf32, #tpu.memory_space<hbm>>
      %dma_wait3A_224 = tpu.memref_slice %arg15[%mul3A_215] : memref<1024xf32, #tpu.memory_space<vmem>> -> memref<512xf32, #tpu.memory_space<vmem>>
      tpu.wait_dma2 semaphore(%arg21 : memref<!tpu.dma_semaphore, #tpu.memory_space<semaphore_mem>>) src(%dma_wait3A_224 : memref<512xf32, #tpu.memory_space<vmem>>) dst(%dma_wait3A_223 : memref<512xf32, #tpu.memory_space<hbm>>)
      %dma_wait3A_225 = tpu.memref_slice %arg16[%mul3A_219] : memref<1024xf32, #tpu.memory_space<vmem>> -> memref<512xf32, #tpu.memory_space<vmem>>
      %dma_wait3A_226 = tpu.memref_slice %arg6[%mul3A_221] : memref<3200000xf32, #tpu.memory_space<hbm>> -> memref<512xf32, #tpu.memory_space<hbm>>
      %dma_wait3A_227 = tpu.memref_slice %arg6[%mul3A_221] : memref<3200000xf32, #tpu.memory_space<hbm>> -> memref<512xf32, #tpu.memory_space<hbm>>
      %dma_wait3A_228 = tpu.memref_slice %arg16[%mul3A_219] : memref<1024xf32, #tpu.memory_space<vmem>> -> memref<512xf32, #tpu.memory_space<vmem>>
      tpu.wait_dma2 semaphore(%arg21 : memref<!tpu.dma_semaphore, #tpu.memory_space<semaphore_mem>>) src(%dma_wait3A_228 : memref<512xf32, #tpu.memory_space<vmem>>) dst(%dma_wait3A_227 : memref<512xf32, #tpu.memory_space<hbm>>)
    } else {
    }
    %add3A_121 = arith.constant 6208 : i32
    %add3A_122 = arith.addi %add3A, %add3A_121 : i32
    %lt3A_123 = arith.constant 6250 : i32
    %lt3A_124 = arith.cmpi slt, %add3A_122, %lt3A_123 : i32
    %add3A_125 = arith.constant 6272 : i32
    %add3A_126 = arith.addi %add3A, %add3A_125 : i32
    %ge3A_127 = arith.constant 6250 : i32
    %ge3A_128 = arith.cmpi sge, %add3A_126, %ge3A_127 : i32
    %and3A_129 = arith.andi %lt3A_124, %ge3A_128 : i1
    %convert_element_type3A_130 = arith.extui %and3A_129 : i1 to i32
    %cond3A_131 = arith.constant 0 : i32
    %cond3A_132 = arith.cmpi ne, %convert_element_type3A_130, %cond3A_131 : i32
    scf.if %cond3A_132 {
      %add3A_209 = arith.constant 6208 : i32
      %add3A_210 = arith.addi %add3A, %add3A_209 : i32
      %and3A_211 = arith.constant 194 : i32
      %and3A_212 = arith.constant 1 : i32
      %and3A_213 = arith.andi %and3A_211, %and3A_212 : i32
      %mul3A_214 = arith.constant 512 : i32
      %mul3A_215 = arith.muli %and3A_213, %mul3A_214 : i32
      %mul3A_216 = arith.constant 512 : i32
      %mul3A_217 = arith.muli %add3A_210, %mul3A_216 : i32
      %mul3A_218 = arith.constant 512 : i32
      %mul3A_219 = arith.muli %and3A_213, %mul3A_218 : i32
      %mul3A_220 = arith.constant 512 : i32
      %mul3A_221 = arith.muli %add3A_210, %mul3A_220 : i32
      %dma_wait3A = tpu.memref_slice %arg15[%mul3A_215] : memref<1024xf32, #tpu.memory_space<vmem>> -> memref<512xf32, #tpu.memory_space<vmem>>
      %dma_wait3A_222 = tpu.memref_slice %arg5[%mul3A_217] : memref<3200000xf32, #tpu.memory_space<hbm>> -> memref<512xf32, #tpu.memory_space<hbm>>
      %dma_wait3A_223 = tpu.memref_slice %arg5[%mul3A_217] : memref<3200000xf32, #tpu.memory_space<hbm>> -> memref<512xf32, #tpu.memory_space<hbm>>
      %dma_wait3A_224 = tpu.memref_slice %arg15[%mul3A_215] : memref<1024xf32, #tpu.memory_space<vmem>> -> memref<512xf32, #tpu.memory_space<vmem>>
      tpu.wait_dma2 semaphore(%arg21 : memref<!tpu.dma_semaphore, #tpu.memory_space<semaphore_mem>>) src(%dma_wait3A_224 : memref<512xf32, #tpu.memory_space<vmem>>) dst(%dma_wait3A_223 : memref<512xf32, #tpu.memory_space<hbm>>)
      %dma_wait3A_225 = tpu.memref_slice %arg16[%mul3A_219] : memref<1024xf32, #tpu.memory_space<vmem>> -> memref<512xf32, #tpu.memory_space<vmem>>
      %dma_wait3A_226 = tpu.memref_slice %arg6[%mul3A_221] : memref<3200000xf32, #tpu.memory_space<hbm>> -> memref<512xf32, #tpu.memory_space<hbm>>
      %dma_wait3A_227 = tpu.memref_slice %arg6[%mul3A_221] : memref<3200000xf32, #tpu.memory_space<hbm>> -> memref<512xf32, #tpu.memory_space<hbm>>
      %dma_wait3A_228 = tpu.memref_slice %arg16[%mul3A_219] : memref<1024xf32, #tpu.memory_space<vmem>> -> memref<512xf32, #tpu.memory_space<vmem>>
      tpu.wait_dma2 semaphore(%arg21 : memref<!tpu.dma_semaphore, #tpu.memory_space<semaphore_mem>>) src(%dma_wait3A_228 : memref<512xf32, #tpu.memory_space<vmem>>) dst(%dma_wait3A_227 : memref<512xf32, #tpu.memory_space<hbm>>)
    } else {
    }
    %add3A_133 = arith.constant 6240 : i32
    %add3A_134 = arith.addi %add3A, %add3A_133 : i32
    %lt3A_135 = arith.constant 6250 : i32
    %lt3A_136 = arith.cmpi slt, %add3A_134, %lt3A_135 : i32
    %add3A_137 = arith.constant 6304 : i32
    %add3A_138 = arith.addi %add3A, %add3A_137 : i32
    %ge3A_139 = arith.constant 6250 : i32
    %ge3A_140 = arith.cmpi sge, %add3A_138, %ge3A_139 : i32
    %and3A_141 = arith.andi %lt3A_136, %ge3A_140 : i1
    %convert_element_type3A_142 = arith.extui %and3A_141 : i1 to i32
    %cond3A_143 = arith.constant 0 : i32
    %cond3A_144 = arith.cmpi ne, %convert_element_type3A_142, %cond3A_143 : i32
    scf.if %cond3A_144 {
      %add3A_209 = arith.constant 6240 : i32
      %add3A_210 = arith.addi %add3A, %add3A_209 : i32
      %and3A_211 = arith.constant 195 : i32
      %and3A_212 = arith.constant 1 : i32
      %and3A_213 = arith.andi %and3A_211, %and3A_212 : i32
      %mul3A_214 = arith.constant 512 : i32
      %mul3A_215 = arith.muli %and3A_213, %mul3A_214 : i32
      %mul3A_216 = arith.constant 512 : i32
      %mul3A_217 = arith.muli %add3A_210, %mul3A_216 : i32
      %mul3A_218 = arith.constant 512 : i32
      %mul3A_219 = arith.muli %and3A_213, %mul3A_218 : i32
      %mul3A_220 = arith.constant 512 : i32
      %mul3A_221 = arith.muli %add3A_210, %mul3A_220 : i32
      %dma_wait3A = tpu.memref_slice %arg15[%mul3A_215] : memref<1024xf32, #tpu.memory_space<vmem>> -> memref<512xf32, #tpu.memory_space<vmem>>
      %dma_wait3A_222 = tpu.memref_slice %arg5[%mul3A_217] : memref<3200000xf32, #tpu.memory_space<hbm>> -> memref<512xf32, #tpu.memory_space<hbm>>
      %dma_wait3A_223 = tpu.memref_slice %arg5[%mul3A_217] : memref<3200000xf32, #tpu.memory_space<hbm>> -> memref<512xf32, #tpu.memory_space<hbm>>
      %dma_wait3A_224 = tpu.memref_slice %arg15[%mul3A_215] : memref<1024xf32, #tpu.memory_space<vmem>> -> memref<512xf32, #tpu.memory_space<vmem>>
      tpu.wait_dma2 semaphore(%arg21 : memref<!tpu.dma_semaphore, #tpu.memory_space<semaphore_mem>>) src(%dma_wait3A_224 : memref<512xf32, #tpu.memory_space<vmem>>) dst(%dma_wait3A_223 : memref<512xf32, #tpu.memory_space<hbm>>)
      %dma_wait3A_225 = tpu.memref_slice %arg16[%mul3A_219] : memref<1024xf32, #tpu.memory_space<vmem>> -> memref<512xf32, #tpu.memory_space<vmem>>
      %dma_wait3A_226 = tpu.memref_slice %arg6[%mul3A_221] : memref<3200000xf32, #tpu.memory_space<hbm>> -> memref<512xf32, #tpu.memory_space<hbm>>
      %dma_wait3A_227 = tpu.memref_slice %arg6[%mul3A_221] : memref<3200000xf32, #tpu.memory_space<hbm>> -> memref<512xf32, #tpu.memory_space<hbm>>
      %dma_wait3A_228 = tpu.memref_slice %arg16[%mul3A_219] : memref<1024xf32, #tpu.memory_space<vmem>> -> memref<512xf32, #tpu.memory_space<vmem>>
      tpu.wait_dma2 semaphore(%arg21 : memref<!tpu.dma_semaphore, #tpu.memory_space<semaphore_mem>>) src(%dma_wait3A_228 : memref<512xf32, #tpu.memory_space<vmem>>) dst(%dma_wait3A_227 : memref<512xf32, #tpu.memory_space<hbm>>)
    } else {
    }
    %broadcast_in_dim3A = arith.constant 0.000000e+00 : f32
    %broadcast_in_dim3A_145 = vector.broadcast %broadcast_in_dim3A : f32 to vector<16xf32>
    %scan3A_146 = arith.constant 0 : i32
    %scan3A_147 = arith.constant 0 : i32
    %scan3A_148 = arith.constant 6272 : i32
    %scan3A_149 = arith.addi %scan3A_147, %scan3A_148 : i32
    %scan3A_150 = arith.constant 1 : i32
    %scan3A_151 = scf.for %scan3A_209 = %scan3A_147 to %scan3A_149 step %scan3A_150 iter_args(%scan3A_210 = %scan3A_146) -> (i32)  : i32 {
      %mul3A_211 = arith.constant 16 : i32
      %mul3A_212 = arith.muli %scan3A_209, %mul3A_211 : i32
      %swap3A = arith.index_cast %mul3A_212 : i32 to index
      %swap3A_213 = tpu.vector_load %arg10[%swap3A] {strides = array<i32>} : memref<100352xf32, #tpu.memory_space<vmem>>, vector<16xf32>,
      tpu.vector_store %arg10[%swap3A], %broadcast_in_dim3A_145 {strides = array<i32>} : memref<100352xf32, #tpu.memory_space<vmem>>, vector<16xf32>,
      %scan3A_214 = arith.constant 0 : i32
      scf.yield %scan3A_214 : i32
    }
    %scan3A_152 = arith.constant 6272 : i32
    %add3A_153 = arith.constant 0 : i32
    %add3A_154 = arith.addi %add3A, %add3A_153 : i32
    %lt3A_155 = arith.constant 6250 : i32
    %lt3A_156 = arith.cmpi slt, %add3A_154, %lt3A_155 : i32
    %convert_element_type3A_157 = arith.extui %lt3A_156 : i1 to i32
    %cond3A_158 = arith.constant 0 : i32
    %cond3A_159 = arith.cmpi ne, %convert_element_type3A_157, %cond3A_158 : i32
    scf.if %cond3A_159 {
      %add3A_209 = arith.constant 0 : i32
      %add3A_210 = arith.addi %add3A, %add3A_209 : i32
      %and3A_211 = arith.constant 0 : i32
      %and3A_212 = arith.constant 1 : i32
      %and3A_213 = arith.andi %and3A_211, %and3A_212 : i32
      %mul3A_214 = arith.constant 16 : i32
      %mul3A_215 = arith.muli %add3A_210, %mul3A_214 : i32
      %mul3A_216 = arith.constant 16 : i32
      %mul3A_217 = arith.muli %and3A_213, %mul3A_216 : i32
      %mul3A_218 = arith.constant 512 : i32
      %mul3A_219 = arith.muli %add3A_210, %mul3A_218 : i32
      %mul3A_220 = arith.constant 512 : i32
      %mul3A_221 = arith.muli %and3A_213, %mul3A_220 : i32
      %dma_start3A = arith.constant 0 : i32
      %dma_start3A_222 = tpu.memref_slice %arg11[%mul3A_217, %dma_start3A] : memref<32x128xi32, #tpu.memory_space<vmem>> -> memref<16x128xi32, #tpu.memory_space<vmem>>
      %dma_start3A_223 = arith.constant 0 : i32
      %dma_start3A_224 = tpu.memref_slice %arg3[%mul3A_215, %dma_start3A_223] : memref<100000x128xi32, #tpu.memory_space<hbm>> -> memref<16x128xi32, #tpu.memory_space<hbm>>
      %dma_start3A_225 = arith.constant 0 : i32
      %dma_start3A_226 = tpu.memref_slice %arg11[%mul3A_217, %dma_start3A_225] : memref<32x128xi32, #tpu.memory_space<vmem>> -> memref<16x128xi32, #tpu.memory_space<vmem>>
      %dma_start3A_227 = arith.constant 0 : i32
      %dma_start3A_228 = tpu.memref_slice %arg3[%mul3A_215, %dma_start3A_227] : memref<100000x128xi32, #tpu.memory_space<hbm>> -> memref<16x128xi32, #tpu.memory_space<hbm>>
      tpu.enqueue_dma source(%dma_start3A_228 : memref<16x128xi32, #tpu.memory_space<hbm>>) target(%dma_start3A_226 : memref<16x128xi32, #tpu.memory_space<vmem>>) target_semaphore(%arg20 : memref<!tpu.dma_semaphore, #tpu.memory_space<semaphore_mem>>)
      %dma_start3A_229 = tpu.memref_slice %arg14[%mul3A_221] : memref<1024xf32, #tpu.memory_space<vmem>> -> memref<512xf32, #tpu.memory_space<vmem>>
      %dma_start3A_230 = tpu.memref_slice %arg4[%mul3A_219] : memref<3200000xf32, #tpu.memory_space<hbm>> -> memref<512xf32, #tpu.memory_space<hbm>>
      %dma_start3A_231 = tpu.memref_slice %arg14[%mul3A_221] : memref<1024xf32, #tpu.memory_space<vmem>> -> memref<512xf32, #tpu.memory_space<vmem>>
      %dma_start3A_232 = tpu.memref_slice %arg4[%mul3A_219] : memref<3200000xf32, #tpu.memory_space<hbm>> -> memref<512xf32, #tpu.memory_space<hbm>>
      tpu.enqueue_dma source(%dma_start3A_232 : memref<512xf32, #tpu.memory_space<hbm>>) target(%dma_start3A_231 : memref<512xf32, #tpu.memory_space<vmem>>) target_semaphore(%arg20 : memref<!tpu.dma_semaphore, #tpu.memory_space<semaphore_mem>>)
    } else {
    }
    "tpu.trace_start"() <{level = 10 : i32, message = "pass_scatter"}> : () -> ()
    %scan3A_160 = arith.constant 0 : i32
    %scan3A_161 = arith.constant 0 : i32
    %scan3A_162 = arith.constant 196 : i32
    %scan3A_163 = arith.addi %scan3A_161, %scan3A_162 : i32
    %scan3A_164 = arith.constant 1 : i32
    %scan3A_165 = scf.for %scan3A_209 = %scan3A_161 to %scan3A_163 step %scan3A_164 iter_args(%scan3A_210 = %scan3A_160) -> (i32)  : i32 {
      %mul3A_211 = arith.constant 32 : i32
      %mul3A_212 = arith.muli %scan3A_209, %mul3A_211 : i32
      %add3A_213 = arith.addi %add3A, %mul3A_212 : i32
      %and3A_214 = arith.constant 1 : i32
      %and3A_215 = arith.andi %scan3A_209, %and3A_214 : i32
      %add3A_216 = arith.constant 1 : i32
      %add3A_217 = arith.addi %scan3A_209, %add3A_216 : i32
      %mul3A_218 = arith.constant 32 : i32
      %mul3A_219 = arith.muli %add3A_217, %mul3A_218 : i32
      %add3A_220 = arith.addi %add3A, %mul3A_219 : i32
      %lt3A_221 = arith.constant 6250 : i32
      %lt3A_222 = arith.cmpi slt, %add3A_220, %lt3A_221 : i32
      %convert_element_type3A_223 = arith.extui %lt3A_222 : i1 to i32
      %cond3A_224 = arith.constant 0 : i32
      %cond3A_225 = arith.cmpi ne, %convert_element_type3A_223, %cond3A_224 : i32
      scf.if %cond3A_225 {
        %mul3A_232 = arith.constant 32 : i32
        %mul3A_233 = arith.muli %add3A_217, %mul3A_232 : i32
        %add3A_234 = arith.addi %add3A, %mul3A_233 : i32
        %and3A_235 = arith.constant 1 : i32
        %and3A_236 = arith.andi %add3A_217, %and3A_235 : i32
        %mul3A_237 = arith.constant 16 : i32
        %mul3A_238 = arith.muli %add3A_234, %mul3A_237 : i32
        %mul3A_239 = arith.constant 16 : i32
        %mul3A_240 = arith.muli %and3A_236, %mul3A_239 : i32
        %mul3A_241 = arith.constant 512 : i32
        %mul3A_242 = arith.muli %add3A_234, %mul3A_241 : i32
        %mul3A_243 = arith.constant 512 : i32
        %mul3A_244 = arith.muli %and3A_236, %mul3A_243 : i32
        %dma_start3A = arith.constant 0 : i32
        %dma_start3A_245 = tpu.memref_slice %arg11[%mul3A_240, %dma_start3A] : memref<32x128xi32, #tpu.memory_space<vmem>> -> memref<16x128xi32, #tpu.memory_space<vmem>>
        %dma_start3A_246 = arith.constant 0 : i32
        %dma_start3A_247 = tpu.memref_slice %arg3[%mul3A_238, %dma_start3A_246] : memref<100000x128xi32, #tpu.memory_space<hbm>> -> memref<16x128xi32, #tpu.memory_space<hbm>>
        %dma_start3A_248 = arith.constant 0 : i32
        %dma_start3A_249 = tpu.memref_slice %arg11[%mul3A_240, %dma_start3A_248] : memref<32x128xi32, #tpu.memory_space<vmem>> -> memref<16x128xi32, #tpu.memory_space<vmem>>
        %dma_start3A_250 = arith.constant 0 : i32
        %dma_start3A_251 = tpu.memref_slice %arg3[%mul3A_238, %dma_start3A_250] : memref<100000x128xi32, #tpu.memory_space<hbm>> -> memref<16x128xi32, #tpu.memory_space<hbm>>
        tpu.enqueue_dma source(%dma_start3A_251 : memref<16x128xi32, #tpu.memory_space<hbm>>) target(%dma_start3A_249 : memref<16x128xi32, #tpu.memory_space<vmem>>) target_semaphore(%arg20 : memref<!tpu.dma_semaphore, #tpu.memory_space<semaphore_mem>>)
        %dma_start3A_252 = tpu.memref_slice %arg14[%mul3A_244] : memref<1024xf32, #tpu.memory_space<vmem>> -> memref<512xf32, #tpu.memory_space<vmem>>
        %dma_start3A_253 = tpu.memref_slice %arg4[%mul3A_242] : memref<3200000xf32, #tpu.memory_space<hbm>> -> memref<512xf32, #tpu.memory_space<hbm>>
        %dma_start3A_254 = tpu.memref_slice %arg14[%mul3A_244] : memref<1024xf32, #tpu.memory_space<vmem>> -> memref<512xf32, #tpu.memory_space<vmem>>
        %dma_start3A_255 = tpu.memref_slice %arg4[%mul3A_242] : memref<3200000xf32, #tpu.memory_space<hbm>> -> memref<512xf32, #tpu.memory_space<hbm>>
        tpu.enqueue_dma source(%dma_start3A_255 : memref<512xf32, #tpu.memory_space<hbm>>) target(%dma_start3A_254 : memref<512xf32, #tpu.memory_space<vmem>>) target_semaphore(%arg20 : memref<!tpu.dma_semaphore, #tpu.memory_space<semaphore_mem>>)
      } else {
      }
      %lt3A_226 = arith.constant 6250 : i32
      %lt3A_227 = arith.cmpi slt, %add3A_213, %lt3A_226 : i32
      %convert_element_type3A_228 = arith.extui %lt3A_227 : i1 to i32
      %cond3A_229 = arith.constant 0 : i32
      %cond3A_230 = arith.cmpi ne, %convert_element_type3A_228, %cond3A_229 : i32
      scf.if %cond3A_230 {
        %mul3A_232 = arith.constant 32 : i32
        %mul3A_233 = arith.muli %scan3A_209, %mul3A_232 : i32
        %add3A_234 = arith.addi %add3A, %mul3A_233 : i32
        %and3A_235 = arith.constant 1 : i32
        %and3A_236 = arith.andi %scan3A_209, %and3A_235 : i32
        %mul3A_237 = arith.constant 16 : i32
        %mul3A_238 = arith.muli %add3A_234, %mul3A_237 : i32
        %mul3A_239 = arith.constant 16 : i32
        %mul3A_240 = arith.muli %and3A_236, %mul3A_239 : i32
        %mul3A_241 = arith.constant 512 : i32
        %mul3A_242 = arith.muli %add3A_234, %mul3A_241 : i32
        %mul3A_243 = arith.constant 512 : i32
        %mul3A_244 = arith.muli %and3A_236, %mul3A_243 : i32
        %dma_wait3A = arith.constant 0 : i32
        %dma_wait3A_245 = tpu.memref_slice %arg11[%mul3A_240, %dma_wait3A] : memref<32x128xi32, #tpu.memory_space<vmem>> -> memref<16x128xi32, #tpu.memory_space<vmem>>
        %dma_wait3A_246 = arith.constant 0 : i32
        %dma_wait3A_247 = tpu.memref_slice %arg3[%mul3A_238, %dma_wait3A_246] : memref<100000x128xi32, #tpu.memory_space<hbm>> -> memref<16x128xi32, #tpu.memory_space<hbm>>
        %dma_wait3A_248 = arith.constant 0 : i32
        %dma_wait3A_249 = tpu.memref_slice %arg11[%mul3A_240, %dma_wait3A_248] : memref<32x128xi32, #tpu.memory_space<vmem>> -> memref<16x128xi32, #tpu.memory_space<vmem>>
        %dma_wait3A_250 = arith.constant 0 : i32
        %dma_wait3A_251 = tpu.memref_slice %arg3[%mul3A_238, %dma_wait3A_250] : memref<100000x128xi32, #tpu.memory_space<hbm>> -> memref<16x128xi32, #tpu.memory_space<hbm>>
        tpu.wait_dma2 semaphore(%arg20 : memref<!tpu.dma_semaphore, #tpu.memory_space<semaphore_mem>>) src(%dma_wait3A_251 : memref<16x128xi32, #tpu.memory_space<hbm>>) dst(%dma_wait3A_249 : memref<16x128xi32, #tpu.memory_space<vmem>>)
        %dma_wait3A_252 = tpu.memref_slice %arg14[%mul3A_244] : memref<1024xf32, #tpu.memory_space<vmem>> -> memref<512xf32, #tpu.memory_space<vmem>>
        %dma_wait3A_253 = tpu.memref_slice %arg4[%mul3A_242] : memref<3200000xf32, #tpu.memory_space<hbm>> -> memref<512xf32, #tpu.memory_space<hbm>>
        %dma_wait3A_254 = tpu.memref_slice %arg14[%mul3A_244] : memref<1024xf32, #tpu.memory_space<vmem>> -> memref<512xf32, #tpu.memory_space<vmem>>
        %dma_wait3A_255 = tpu.memref_slice %arg4[%mul3A_242] : memref<3200000xf32, #tpu.memory_space<hbm>> -> memref<512xf32, #tpu.memory_space<hbm>>
        tpu.wait_dma2 semaphore(%arg20 : memref<!tpu.dma_semaphore, #tpu.memory_space<semaphore_mem>>) src(%dma_wait3A_255 : memref<512xf32, #tpu.memory_space<hbm>>) dst(%dma_wait3A_254 : memref<512xf32, #tpu.memory_space<vmem>>)
        %scan3A_256 = arith.constant 0 : i32
        %scan3A_257 = arith.constant 0 : i32
        %scan3A_258 = arith.constant 32 : i32
        %scan3A_259 = arith.addi %scan3A_257, %scan3A_258 : i32
        %scan3A_260 = arith.constant 1 : i32
        %scan3A_261 = scf.for %scan3A_263 = %scan3A_257 to %scan3A_259 step %scan3A_260 iter_args(%scan3A_264 = %scan3A_256) -> (i32)  : i32 {
          %mul3A_265 = arith.constant 512 : i32
          %mul3A_266 = arith.muli %and3A_215, %mul3A_265 : i32
          %mul3A_267 = arith.constant 16 : i32
          %mul3A_268 = arith.muli %scan3A_263, %mul3A_267 : i32
          %add3A_269 = arith.addi %mul3A_266, %mul3A_268 : i32
          %get3A = arith.index_cast %add3A_269 : i32 to index
          %get3A_270 = tpu.vector_load %arg14[%get3A] {strides = array<i32>} : memref<1024xf32, #tpu.memory_space<vmem>>, vector<16xf32>,
          %mul3A_271 = arith.constant 16 : i32
          %mul3A_272 = arith.muli %and3A_215, %mul3A_271 : i32
          %shift_right_logical3A = arith.constant 3 : i32
          %shift_right_logical3A_273 = arith.shrui %scan3A_263, %shift_right_logical3A : i32
          %mul3A_274 = arith.constant 4 : i32
          %mul3A_275 = arith.muli %shift_right_logical3A_273, %mul3A_274 : i32
          %add3A_276 = arith.addi %mul3A_272, %mul3A_275 : i32
          %and3A_277 = arith.constant 7 : i32
          %and3A_278 = arith.andi %scan3A_263, %and3A_277 : i32
          %mul3A_279 = arith.constant 16 : i32
          %mul3A_280 = arith.muli %and3A_278, %mul3A_279 : i32
          %add3A_281 = arith.constant 0 : i32
          %add3A_282 = arith.addi %add3A_276, %add3A_281 : i32
          %get3A_283 = arith.index_cast %add3A_282 : i32 to index
          %get3A_284 = arith.index_cast %mul3A_280 : i32 to index
          %get3A_285 = tpu.vector_load %arg11[%get3A_283, %get3A_284] {strides = array<i32>} : memref<32x128xi32, #tpu.memory_space<vmem>>, vector<16xi32>,
          %gather3A = tpu.vector_load_idx %arg10[%get3A_285] : memref<100352xf32, #tpu.memory_space<vmem>>[vector<16xi32>], vector<16xf32>,
          %gt3A = arith.cmpf ogt, %get3A_270, %gather3A : vector<16xf32>
          %while3A = scf.while (%while3A_311 = %gt3A) : (vector<16xi1>) -> vector<16xi1> {
            %reduce_or3A = arith.constant 1.000000e+00 : f32
            %reduce_or3A_312 = arith.constant 0.000000e+00 : f32
            %reduce_or3A_313 = vector.broadcast %reduce_or3A : f32 to vector<16xf32>
            %reduce_or3A_314 = vector.broadcast %reduce_or3A_312 : f32 to vector<16xf32>
            %reduce_or3A_315 = arith.select %while3A_311, %reduce_or3A_313, %reduce_or3A_314 : vector<16xi1>, vector<16xf32>
            %reduce_or3A_316 = arith.constant true
            %reduce_or3A_317 = vector.broadcast %reduce_or3A_316 : i1 to vector<16xi1>
            %reduce_or3A_318 = tpu.scan <max>, %reduce_or3A_315 masked %reduce_or3A_317 : vector<16xf32>, vector<16xi1> -> vector<16xf32>
            %reduce_or3A_319 = vector.extract %reduce_or3A_318[15] : f32 from vector<16xf32>
            %reduce_or3A_320 = arith.constant 0.000000e+00 : f32
            %reduce_or3A_321 = arith.cmpf ogt, %reduce_or3A_319, %reduce_or3A_320 : f32
            scf.condition(%reduce_or3A_321) %while3A_311 : vector<16xi1>
          } do {
          ^bb0(%while3A_311: vector<16xi1>):
            tpu.vector_store_idx %arg10[%get3A_285], %get3A_270 masked %while3A_311 : memref<100352xf32, #tpu.memory_space<vmem>>[vector<16xi32>], vector<16xf32>, vector<16xi1>
            %gather3A_312 = tpu.vector_load_idx %arg10[%get3A_285] : memref<100352xf32, #tpu.memory_space<vmem>>[vector<16xi32>], vector<16xf32>,
            %gt3A_313 = arith.cmpf ogt, %get3A_270, %gather3A_312 : vector<16xf32>
            scf.yield %gt3A_313 : vector<16xi1>
          }
          %add3A_286 = arith.constant 1 : i32
          %add3A_287 = arith.addi %add3A_276, %add3A_286 : i32
          %get3A_288 = arith.index_cast %add3A_287 : i32 to index
          %get3A_289 = arith.index_cast %mul3A_280 : i32 to index
          %get3A_290 = tpu.vector_load %arg11[%get3A_288, %get3A_289] {strides = array<i32>} : memref<32x128xi32, #tpu.memory_space<vmem>>, vector<16xi32>,
          %gather3A_291 = tpu.vector_load_idx %arg10[%get3A_290] : memref<100352xf32, #tpu.memory_space<vmem>>[vector<16xi32>], vector<16xf32>,
          %gt3A_292 = arith.cmpf ogt, %get3A_270, %gather3A_291 : vector<16xf32>
          %while3A_293 = scf.while (%while3A_311 = %gt3A_292) : (vector<16xi1>) -> vector<16xi1> {
            %reduce_or3A = arith.constant 1.000000e+00 : f32
            %reduce_or3A_312 = arith.constant 0.000000e+00 : f32
            %reduce_or3A_313 = vector.broadcast %reduce_or3A : f32 to vector<16xf32>
            %reduce_or3A_314 = vector.broadcast %reduce_or3A_312 : f32 to vector<16xf32>
            %reduce_or3A_315 = arith.select %while3A_311, %reduce_or3A_313, %reduce_or3A_314 : vector<16xi1>, vector<16xf32>
            %reduce_or3A_316 = arith.constant true
            %reduce_or3A_317 = vector.broadcast %reduce_or3A_316 : i1 to vector<16xi1>
            %reduce_or3A_318 = tpu.scan <max>, %reduce_or3A_315 masked %reduce_or3A_317 : vector<16xf32>, vector<16xi1> -> vector<16xf32>
            %reduce_or3A_319 = vector.extract %reduce_or3A_318[15] : f32 from vector<16xf32>
            %reduce_or3A_320 = arith.constant 0.000000e+00 : f32
            %reduce_or3A_321 = arith.cmpf ogt, %reduce_or3A_319, %reduce_or3A_320 : f32
            scf.condition(%reduce_or3A_321) %while3A_311 : vector<16xi1>
          } do {
          ^bb0(%while3A_311: vector<16xi1>):
            tpu.vector_store_idx %arg10[%get3A_290], %get3A_270 masked %while3A_311 : memref<100352xf32, #tpu.memory_space<vmem>>[vector<16xi32>], vector<16xf32>, vector<16xi1>
            %gather3A_312 = tpu.vector_load_idx %arg10[%get3A_290] : memref<100352xf32, #tpu.memory_space<vmem>>[vector<16xi32>], vector<16xf32>,
            %gt3A_313 = arith.cmpf ogt, %get3A_270, %gather3A_312 : vector<16xf32>
            scf.yield %gt3A_313 : vector<16xi1>
          }
          %add3A_294 = arith.constant 2 : i32
          %add3A_295 = arith.addi %add3A_276, %add3A_294 : i32
          %get3A_296 = arith.index_cast %add3A_295 : i32 to index
          %get3A_297 = arith.index_cast %mul3A_280 : i32 to index
          %get3A_298 = tpu.vector_load %arg11[%get3A_296, %get3A_297] {strides = array<i32>} : memref<32x128xi32, #tpu.memory_space<vmem>>, vector<16xi32>,
          %gather3A_299 = tpu.vector_load_idx %arg10[%get3A_298] : memref<100352xf32, #tpu.memory_space<vmem>>[vector<16xi32>], vector<16xf32>,
          %gt3A_300 = arith.cmpf ogt, %get3A_270, %gather3A_299 : vector<16xf32>
          %while3A_301 = scf.while (%while3A_311 = %gt3A_300) : (vector<16xi1>) -> vector<16xi1> {
            %reduce_or3A = arith.constant 1.000000e+00 : f32
            %reduce_or3A_312 = arith.constant 0.000000e+00 : f32
            %reduce_or3A_313 = vector.broadcast %reduce_or3A : f32 to vector<16xf32>
            %reduce_or3A_314 = vector.broadcast %reduce_or3A_312 : f32 to vector<16xf32>
            %reduce_or3A_315 = arith.select %while3A_311, %reduce_or3A_313, %reduce_or3A_314 : vector<16xi1>, vector<16xf32>
            %reduce_or3A_316 = arith.constant true
            %reduce_or3A_317 = vector.broadcast %reduce_or3A_316 : i1 to vector<16xi1>
            %reduce_or3A_318 = tpu.scan <max>, %reduce_or3A_315 masked %reduce_or3A_317 : vector<16xf32>, vector<16xi1> -> vector<16xf32>
            %reduce_or3A_319 = vector.extract %reduce_or3A_318[15] : f32 from vector<16xf32>
            %reduce_or3A_320 = arith.constant 0.000000e+00 : f32
            %reduce_or3A_321 = arith.cmpf ogt, %reduce_or3A_319, %reduce_or3A_320 : f32
            scf.condition(%reduce_or3A_321) %while3A_311 : vector<16xi1>
          } do {
          ^bb0(%while3A_311: vector<16xi1>):
            tpu.vector_store_idx %arg10[%get3A_298], %get3A_270 masked %while3A_311 : memref<100352xf32, #tpu.memory_space<vmem>>[vector<16xi32>], vector<16xf32>, vector<16xi1>
            %gather3A_312 = tpu.vector_load_idx %arg10[%get3A_298] : memref<100352xf32, #tpu.memory_space<vmem>>[vector<16xi32>], vector<16xf32>,
            %gt3A_313 = arith.cmpf ogt, %get3A_270, %gather3A_312 : vector<16xf32>
            scf.yield %gt3A_313 : vector<16xi1>
          }
          %add3A_302 = arith.constant 3 : i32
          %add3A_303 = arith.addi %add3A_276, %add3A_302 : i32
          %get3A_304 = arith.index_cast %add3A_303 : i32 to index
          %get3A_305 = arith.index_cast %mul3A_280 : i32 to index
          %get3A_306 = tpu.vector_load %arg11[%get3A_304, %get3A_305] {strides = array<i32>} : memref<32x128xi32, #tpu.memory_space<vmem>>, vector<16xi32>,
          %gather3A_307 = tpu.vector_load_idx %arg10[%get3A_306] : memref<100352xf32, #tpu.memory_space<vmem>>[vector<16xi32>], vector<16xf32>,
          %gt3A_308 = arith.cmpf ogt, %get3A_270, %gather3A_307 : vector<16xf32>
          %while3A_309 = scf.while (%while3A_311 = %gt3A_308) : (vector<16xi1>) -> vector<16xi1> {
            %reduce_or3A = arith.constant 1.000000e+00 : f32
            %reduce_or3A_312 = arith.constant 0.000000e+00 : f32
            %reduce_or3A_313 = vector.broadcast %reduce_or3A : f32 to vector<16xf32>
            %reduce_or3A_314 = vector.broadcast %reduce_or3A_312 : f32 to vector<16xf32>
            %reduce_or3A_315 = arith.select %while3A_311, %reduce_or3A_313, %reduce_or3A_314 : vector<16xi1>, vector<16xf32>
            %reduce_or3A_316 = arith.constant true
            %reduce_or3A_317 = vector.broadcast %reduce_or3A_316 : i1 to vector<16xi1>
            %reduce_or3A_318 = tpu.scan <max>, %reduce_or3A_315 masked %reduce_or3A_317 : vector<16xf32>, vector<16xi1> -> vector<16xf32>
            %reduce_or3A_319 = vector.extract %reduce_or3A_318[15] : f32 from vector<16xf32>
            %reduce_or3A_320 = arith.constant 0.000000e+00 : f32
            %reduce_or3A_321 = arith.cmpf ogt, %reduce_or3A_319, %reduce_or3A_320 : f32
            scf.condition(%reduce_or3A_321) %while3A_311 : vector<16xi1>
          } do {
          ^bb0(%while3A_311: vector<16xi1>):
            tpu.vector_store_idx %arg10[%get3A_306], %get3A_270 masked %while3A_311 : memref<100352xf32, #tpu.memory_space<vmem>>[vector<16xi32>], vector<16xf32>, vector<16xi1>
            %gather3A_312 = tpu.vector_load_idx %arg10[%get3A_306] : memref<100352xf32, #tpu.memory_space<vmem>>[vector<16xi32>], vector<16xf32>,
            %gt3A_313 = arith.cmpf ogt, %get3A_270, %gather3A_312 : vector<16xf32>
            scf.yield %gt3A_313 : vector<16xi1>
          }
          %scan3A_310 = arith.constant 0 : i32
          scf.yield %scan3A_310 : i32
        }
        %scan3A_262 = arith.constant 32 : i32
      } else {
      }
      %scan3A_231 = arith.constant 0 : i32
      scf.yield %scan3A_231 : i32
    }
    %scan3A_166 = arith.constant 196 : i32
    "tpu.trace_stop"() : () -> ()
    %scan3A_167 = arith.constant 0 : i32
    %scan3A_168 = arith.constant 0 : i32
    %scan3A_169 = arith.constant 196 : i32
    %scan3A_170 = arith.addi %scan3A_168, %scan3A_169 : i32
    %scan3A_171 = arith.constant 1 : i32
    %scan3A_172 = scf.for %scan3A_209 = %scan3A_168 to %scan3A_170 step %scan3A_171 iter_args(%scan3A_210 = %scan3A_167) -> (i32)  : i32 {
      %mul3A_211 = arith.constant 16 : i32
      %mul3A_212 = arith.muli %scan3A_209, %mul3A_211 : i32
      %swap3A = arith.index_cast %mul3A_212 : i32 to index
      %swap3A_213 = tpu.vector_load %arg17[%swap3A] {strides = array<i32>} : memref<3136xf32, #tpu.memory_space<vmem>>, vector<16xf32>,
      tpu.vector_store %arg17[%swap3A], %broadcast_in_dim3A_145 {strides = array<i32>} : memref<3136xf32, #tpu.memory_space<vmem>>, vector<16xf32>,
      %scan3A_214 = arith.constant 0 : i32
      scf.yield %scan3A_214 : i32
    }
    %scan3A_173 = arith.constant 196 : i32
    "tpu.trace_start"() <{level = 10 : i32, message = "reduce"}> : () -> ()
    %scan3A_174 = arith.constant 0 : i32
    %scan3A_175 = arith.constant 0 : i32
    %scan3A_176 = arith.constant 16 : i32
    %scan3A_177 = arith.addi %scan3A_175, %scan3A_176 : i32
    %scan3A_178 = arith.constant 1 : i32
    %scan3A_179 = scf.for %scan3A_209 = %scan3A_175 to %scan3A_177 step %scan3A_178 iter_args(%scan3A_210 = %scan3A_174) -> (i32)  : i32 {
      %add3A_211 = arith.addi %arg1, %scan3A_209 : i32
      %and3A_212 = arith.constant 15 : i32
      %and3A_213 = arith.andi %add3A_211, %and3A_212 : i32
      %mul3A_214 = arith.constant 6272 : i32
      %mul3A_215 = arith.muli %and3A_213, %mul3A_214 : i32
      %add3A_216 = arith.constant 0 : i32
      %add3A_217 = arith.addi %mul3A_215, %add3A_216 : i32
      %mul3A_218 = arith.constant 3136 : i32
      %mul3A_219 = arith.muli %and3A_213, %mul3A_218 : i32
      "tpu.region"() ({
        %run_scoped3A = tpu.sem_alloc : memref<!tpu.dma_semaphore, #tpu.memory_space<semaphore_mem>>
        %dma_start3A = tpu.memref_slice %arg10[%add3A_217] : memref<100352xf32, #tpu.memory_space<vmem>> -> memref<3136xf32, #tpu.memory_space<vmem>>
        %dma_start3A_231 = tpu.memref_slice %arg19[%mul3A_219] : memref<50176xf32, #tpu.memory_space<vmem_shared>> -> memref<3136xf32, #tpu.memory_space<vmem_shared>>
        %dma_start3A_232 = tpu.memref_slice %arg19[%mul3A_219] : memref<50176xf32, #tpu.memory_space<vmem_shared>> -> memref<3136xf32, #tpu.memory_space<vmem_shared>>
        %dma_start3A_233 = tpu.memref_slice %arg10[%add3A_217] : memref<100352xf32, #tpu.memory_space<vmem>> -> memref<3136xf32, #tpu.memory_space<vmem>>
        tpu.enqueue_dma source(%dma_start3A_233 : memref<3136xf32, #tpu.memory_space<vmem>>) target(%dma_start3A_232 : memref<3136xf32, #tpu.memory_space<vmem_shared>>) target_semaphore(%run_scoped3A : memref<!tpu.dma_semaphore, #tpu.memory_space<semaphore_mem>>)
        %dma_wait3A = tpu.memref_slice %arg10[%add3A_217] : memref<100352xf32, #tpu.memory_space<vmem>> -> memref<3136xf32, #tpu.memory_space<vmem>>
        %dma_wait3A_234 = tpu.memref_slice %arg19[%mul3A_219] : memref<50176xf32, #tpu.memory_space<vmem_shared>> -> memref<3136xf32, #tpu.memory_space<vmem_shared>>
        %dma_wait3A_235 = tpu.memref_slice %arg19[%mul3A_219] : memref<50176xf32, #tpu.memory_space<vmem_shared>> -> memref<3136xf32, #tpu.memory_space<vmem_shared>>
        %dma_wait3A_236 = tpu.memref_slice %arg10[%add3A_217] : memref<100352xf32, #tpu.memory_space<vmem>> -> memref<3136xf32, #tpu.memory_space<vmem>>
        tpu.wait_dma2 semaphore(%run_scoped3A : memref<!tpu.dma_semaphore, #tpu.memory_space<semaphore_mem>>) src(%dma_wait3A_236 : memref<3136xf32, #tpu.memory_space<vmem>>) dst(%dma_wait3A_235 : memref<3136xf32, #tpu.memory_space<vmem_shared>>)
        tpu.yield
      }) : () -> ()
      %barrier3A = arith.constant 0 : index
      tpu.barrier barrier_id(%barrier3A)
      %mul3A_220 = arith.constant 3136 : i32
      %mul3A_221 = arith.muli %arg1, %mul3A_220 : i32
      "tpu.region"() ({
        %run_scoped3A = tpu.sem_alloc : memref<!tpu.dma_semaphore, #tpu.memory_space<semaphore_mem>>
        %dma_start3A = tpu.memref_slice %arg19[%mul3A_221] : memref<50176xf32, #tpu.memory_space<vmem_shared>> -> memref<3136xf32, #tpu.memory_space<vmem_shared>>
        %dma_start3A_231 = tpu.memref_slice %arg19[%mul3A_221] : memref<50176xf32, #tpu.memory_space<vmem_shared>> -> memref<3136xf32, #tpu.memory_space<vmem_shared>>
        tpu.enqueue_dma source(%dma_start3A_231 : memref<3136xf32, #tpu.memory_space<vmem_shared>>) target(%arg18 : memref<3136xf32, #tpu.memory_space<vmem>>) target_semaphore(%run_scoped3A : memref<!tpu.dma_semaphore, #tpu.memory_space<semaphore_mem>>)
        %dma_wait3A = tpu.memref_slice %arg19[%mul3A_221] : memref<50176xf32, #tpu.memory_space<vmem_shared>> -> memref<3136xf32, #tpu.memory_space<vmem_shared>>
        %dma_wait3A_232 = tpu.memref_slice %arg19[%mul3A_221] : memref<50176xf32, #tpu.memory_space<vmem_shared>> -> memref<3136xf32, #tpu.memory_space<vmem_shared>>
        tpu.wait_dma2 semaphore(%run_scoped3A : memref<!tpu.dma_semaphore, #tpu.memory_space<semaphore_mem>>) src(%dma_wait3A_232 : memref<3136xf32, #tpu.memory_space<vmem_shared>>) dst(%arg18 : memref<3136xf32, #tpu.memory_space<vmem>>)
        tpu.yield
      }) : () -> ()
      %scan3A_222 = arith.constant 0 : i32
      %scan3A_223 = arith.constant 0 : i32
      %scan3A_224 = arith.constant 196 : i32
      %scan3A_225 = arith.addi %scan3A_223, %scan3A_224 : i32
      %scan3A_226 = arith.constant 1 : i32
      %scan3A_227 = scf.for %scan3A_231 = %scan3A_223 to %scan3A_225 step %scan3A_226 iter_args(%scan3A_232 = %scan3A_222) -> (i32)  : i32 {
        %mul3A_233 = arith.constant 16 : i32
        %mul3A_234 = arith.muli %scan3A_231, %mul3A_233 : i32
        %get3A = arith.index_cast %mul3A_234 : i32 to index
        %get3A_235 = tpu.vector_load %arg17[%get3A] {strides = array<i32>} : memref<3136xf32, #tpu.memory_space<vmem>>, vector<16xf32>,
        %get3A_236 = arith.index_cast %mul3A_234 : i32 to index
        %get3A_237 = tpu.vector_load %arg18[%get3A_236] {strides = array<i32>} : memref<3136xf32, #tpu.memory_space<vmem>>, vector<16xf32>,
        %max3A = arith.maximumf %get3A_235, %get3A_237 : vector<16xf32>
        %swap3A = arith.index_cast %mul3A_234 : i32 to index
        %swap3A_238 = tpu.vector_load %arg17[%swap3A] {strides = array<i32>} : memref<3136xf32, #tpu.memory_space<vmem>>, vector<16xf32>,
        tpu.vector_store %arg17[%swap3A], %max3A {strides = array<i32>} : memref<3136xf32, #tpu.memory_space<vmem>>, vector<16xf32>,
        %scan3A_239 = arith.constant 0 : i32
        scf.yield %scan3A_239 : i32
      }
      %scan3A_228 = arith.constant 196 : i32
      %barrier3A_229 = arith.constant 0 : index
      tpu.barrier barrier_id(%barrier3A_229)
      %scan3A_230 = arith.constant 0 : i32
      scf.yield %scan3A_230 : i32
    }
    %scan3A_180 = arith.constant 16 : i32
    "tpu.trace_stop"() : () -> ()
    %mul3A_181 = arith.constant 100352 : i32
    %mul3A_182 = arith.muli %arg0, %mul3A_181 : i32
    %mul3A_183 = arith.constant 6272 : i32
    %mul3A_184 = arith.muli %arg1, %mul3A_183 : i32
    %add3A_185 = arith.addi %mul3A_182, %mul3A_184 : i32
    %add3A_186 = arith.constant 0 : i32
    %add3A_187 = arith.addi %add3A_185, %add3A_186 : i32
    "tpu.region"() ({
      %run_scoped3A = tpu.sem_alloc : memref<!tpu.dma_semaphore, #tpu.memory_space<semaphore_mem>>
      %dma_start3A = tpu.memref_slice %arg7[%add3A_187] : memref<200704xf32, #tpu.memory_space<hbm>> -> memref<3136xf32, #tpu.memory_space<hbm>>
      %dma_start3A_209 = tpu.memref_slice %arg7[%add3A_187] : memref<200704xf32, #tpu.memory_space<hbm>> -> memref<3136xf32, #tpu.memory_space<hbm>>
      tpu.enqueue_dma source(%arg17 : memref<3136xf32, #tpu.memory_space<vmem>>) target(%dma_start3A_209 : memref<3136xf32, #tpu.memory_space<hbm>>) target_semaphore(%run_scoped3A : memref<!tpu.dma_semaphore, #tpu.memory_space<semaphore_mem>>)
      %dma_wait3A = tpu.memref_slice %arg7[%add3A_187] : memref<200704xf32, #tpu.memory_space<hbm>> -> memref<3136xf32, #tpu.memory_space<hbm>>
      %dma_wait3A_210 = tpu.memref_slice %arg7[%add3A_187] : memref<200704xf32, #tpu.memory_space<hbm>> -> memref<3136xf32, #tpu.memory_space<hbm>>
      tpu.wait_dma2 semaphore(%run_scoped3A : memref<!tpu.dma_semaphore, #tpu.memory_space<semaphore_mem>>) src(%arg17 : memref<3136xf32, #tpu.memory_space<vmem>>) dst(%dma_wait3A_210 : memref<3136xf32, #tpu.memory_space<hbm>>)
      tpu.yield
    }) : () -> ()
    %scan3A_188 = arith.constant 0 : i32
    %scan3A_189 = arith.constant 0 : i32
    %scan3A_190 = arith.constant 196 : i32
    %scan3A_191 = arith.addi %scan3A_189, %scan3A_190 : i32
    %scan3A_192 = arith.constant 1 : i32
    %scan3A_193 = scf.for %scan3A_209 = %scan3A_189 to %scan3A_191 step %scan3A_192 iter_args(%scan3A_210 = %scan3A_188) -> (i32)  : i32 {
      %mul3A_211 = arith.constant 16 : i32
      %mul3A_212 = arith.muli %scan3A_209, %mul3A_211 : i32
      %swap3A = arith.index_cast %mul3A_212 : i32 to index
      %swap3A_213 = tpu.vector_load %arg17[%swap3A] {strides = array<i32>} : memref<3136xf32, #tpu.memory_space<vmem>>, vector<16xf32>,
      tpu.vector_store %arg17[%swap3A], %broadcast_in_dim3A_145 {strides = array<i32>} : memref<3136xf32, #tpu.memory_space<vmem>>, vector<16xf32>,
      %scan3A_214 = arith.constant 0 : i32
      scf.yield %scan3A_214 : i32
    }
    %scan3A_194 = arith.constant 196 : i32
    "tpu.trace_start"() <{level = 10 : i32, message = "reduce"}> : () -> ()
    %scan3A_195 = arith.constant 0 : i32
    %scan3A_196 = arith.constant 0 : i32
    %scan3A_197 = arith.constant 16 : i32
    %scan3A_198 = arith.addi %scan3A_196, %scan3A_197 : i32
    %scan3A_199 = arith.constant 1 : i32
    %scan3A_200 = scf.for %scan3A_209 = %scan3A_196 to %scan3A_198 step %scan3A_199 iter_args(%scan3A_210 = %scan3A_195) -> (i32)  : i32 {
      %add3A_211 = arith.addi %arg1, %scan3A_209 : i32
      %and3A_212 = arith.constant 15 : i32
      %and3A_213 = arith.andi %add3A_211, %and3A_212 : i32
      %mul3A_214 = arith.constant 6272 : i32
      %mul3A_215 = arith.muli %and3A_213, %mul3A_214 : i32
      %add3A_216 = arith.constant 3136 : i32
      %add3A_217 = arith.addi %mul3A_215, %add3A_216 : i32
      %mul3A_218 = arith.constant 3136 : i32
      %mul3A_219 = arith.muli %and3A_213, %mul3A_218 : i32
      "tpu.region"() ({
        %run_scoped3A = tpu.sem_alloc : memref<!tpu.dma_semaphore, #tpu.memory_space<semaphore_mem>>
        %dma_start3A = tpu.memref_slice %arg10[%add3A_217] : memref<100352xf32, #tpu.memory_space<vmem>> -> memref<3136xf32, #tpu.memory_space<vmem>>
        %dma_start3A_231 = tpu.memref_slice %arg19[%mul3A_219] : memref<50176xf32, #tpu.memory_space<vmem_shared>> -> memref<3136xf32, #tpu.memory_space<vmem_shared>>
        %dma_start3A_232 = tpu.memref_slice %arg19[%mul3A_219] : memref<50176xf32, #tpu.memory_space<vmem_shared>> -> memref<3136xf32, #tpu.memory_space<vmem_shared>>
        %dma_start3A_233 = tpu.memref_slice %arg10[%add3A_217] : memref<100352xf32, #tpu.memory_space<vmem>> -> memref<3136xf32, #tpu.memory_space<vmem>>
        tpu.enqueue_dma source(%dma_start3A_233 : memref<3136xf32, #tpu.memory_space<vmem>>) target(%dma_start3A_232 : memref<3136xf32, #tpu.memory_space<vmem_shared>>) target_semaphore(%run_scoped3A : memref<!tpu.dma_semaphore, #tpu.memory_space<semaphore_mem>>)
        %dma_wait3A = tpu.memref_slice %arg10[%add3A_217] : memref<100352xf32, #tpu.memory_space<vmem>> -> memref<3136xf32, #tpu.memory_space<vmem>>
        %dma_wait3A_234 = tpu.memref_slice %arg19[%mul3A_219] : memref<50176xf32, #tpu.memory_space<vmem_shared>> -> memref<3136xf32, #tpu.memory_space<vmem_shared>>
        %dma_wait3A_235 = tpu.memref_slice %arg19[%mul3A_219] : memref<50176xf32, #tpu.memory_space<vmem_shared>> -> memref<3136xf32, #tpu.memory_space<vmem_shared>>
        %dma_wait3A_236 = tpu.memref_slice %arg10[%add3A_217] : memref<100352xf32, #tpu.memory_space<vmem>> -> memref<3136xf32, #tpu.memory_space<vmem>>
        tpu.wait_dma2 semaphore(%run_scoped3A : memref<!tpu.dma_semaphore, #tpu.memory_space<semaphore_mem>>) src(%dma_wait3A_236 : memref<3136xf32, #tpu.memory_space<vmem>>) dst(%dma_wait3A_235 : memref<3136xf32, #tpu.memory_space<vmem_shared>>)
        tpu.yield
      }) : () -> ()
      %barrier3A = arith.constant 0 : index
      tpu.barrier barrier_id(%barrier3A)
      %mul3A_220 = arith.constant 3136 : i32
      %mul3A_221 = arith.muli %arg1, %mul3A_220 : i32
      "tpu.region"() ({
        %run_scoped3A = tpu.sem_alloc : memref<!tpu.dma_semaphore, #tpu.memory_space<semaphore_mem>>
        %dma_start3A = tpu.memref_slice %arg19[%mul3A_221] : memref<50176xf32, #tpu.memory_space<vmem_shared>> -> memref<3136xf32, #tpu.memory_space<vmem_shared>>
        %dma_start3A_231 = tpu.memref_slice %arg19[%mul3A_221] : memref<50176xf32, #tpu.memory_space<vmem_shared>> -> memref<3136xf32, #tpu.memory_space<vmem_shared>>
        tpu.enqueue_dma source(%dma_start3A_231 : memref<3136xf32, #tpu.memory_space<vmem_shared>>) target(%arg18 : memref<3136xf32, #tpu.memory_space<vmem>>) target_semaphore(%run_scoped3A : memref<!tpu.dma_semaphore, #tpu.memory_space<semaphore_mem>>)
        %dma_wait3A = tpu.memref_slice %arg19[%mul3A_221] : memref<50176xf32, #tpu.memory_space<vmem_shared>> -> memref<3136xf32, #tpu.memory_space<vmem_shared>>
        %dma_wait3A_232 = tpu.memref_slice %arg19[%mul3A_221] : memref<50176xf32, #tpu.memory_space<vmem_shared>> -> memref<3136xf32, #tpu.memory_space<vmem_shared>>
        tpu.wait_dma2 semaphore(%run_scoped3A : memref<!tpu.dma_semaphore, #tpu.memory_space<semaphore_mem>>) src(%dma_wait3A_232 : memref<3136xf32, #tpu.memory_space<vmem_shared>>) dst(%arg18 : memref<3136xf32, #tpu.memory_space<vmem>>)
        tpu.yield
      }) : () -> ()
      %scan3A_222 = arith.constant 0 : i32
      %scan3A_223 = arith.constant 0 : i32
      %scan3A_224 = arith.constant 196 : i32
      %scan3A_225 = arith.addi %scan3A_223, %scan3A_224 : i32
      %scan3A_226 = arith.constant 1 : i32
      %scan3A_227 = scf.for %scan3A_231 = %scan3A_223 to %scan3A_225 step %scan3A_226 iter_args(%scan3A_232 = %scan3A_222) -> (i32)  : i32 {
        %mul3A_233 = arith.constant 16 : i32
        %mul3A_234 = arith.muli %scan3A_231, %mul3A_233 : i32
        %get3A = arith.index_cast %mul3A_234 : i32 to index
        %get3A_235 = tpu.vector_load %arg17[%get3A] {strides = array<i32>} : memref<3136xf32, #tpu.memory_space<vmem>>, vector<16xf32>,
        %get3A_236 = arith.index_cast %mul3A_234 : i32 to index
        %get3A_237 = tpu.vector_load %arg18[%get3A_236] {strides = array<i32>} : memref<3136xf32, #tpu.memory_space<vmem>>, vector<16xf32>,
        %max3A = arith.maximumf %get3A_235, %get3A_237 : vector<16xf32>
        %swap3A = arith.index_cast %mul3A_234 : i32 to index
        %swap3A_238 = tpu.vector_load %arg17[%swap3A] {strides = array<i32>} : memref<3136xf32, #tpu.memory_space<vmem>>, vector<16xf32>,
        tpu.vector_store %arg17[%swap3A], %max3A {strides = array<i32>} : memref<3136xf32, #tpu.memory_space<vmem>>, vector<16xf32>,
        %scan3A_239 = arith.constant 0 : i32
        scf.yield %scan3A_239 : i32
      }
      %scan3A_228 = arith.constant 196 : i32
      %barrier3A_229 = arith.constant 0 : index
      tpu.barrier barrier_id(%barrier3A_229)
      %scan3A_230 = arith.constant 0 : i32
      scf.yield %scan3A_230 : i32
    }
    %scan3A_201 = arith.constant 16 : i32
    "tpu.trace_stop"() : () -> ()
    %mul3A_202 = arith.constant 100352 : i32
    %mul3A_203 = arith.muli %arg0, %mul3A_202 : i32
    %mul3A_204 = arith.constant 6272 : i32
    %mul3A_205 = arith.muli %arg1, %mul3A_204 : i32
    %add3A_206 = arith.addi %mul3A_203, %mul3A_205 : i32
    %add3A_207 = arith.constant 3136 : i32
    %add3A_208 = arith.addi %add3A_206, %add3A_207 : i32
    "tpu.region"() ({
      %run_scoped3A = tpu.sem_alloc : memref<!tpu.dma_semaphore, #tpu.memory_space<semaphore_mem>>
      %dma_start3A = tpu.memref_slice %arg7[%add3A_208] : memref<200704xf32, #tpu.memory_space<hbm>> -> memref<3136xf32, #tpu.memory_space<hbm>>
      %dma_start3A_209 = tpu.memref_slice %arg7[%add3A_208] : memref<200704xf32, #tpu.memory_space<hbm>> -> memref<3136xf32, #tpu.memory_space<hbm>>
      tpu.enqueue_dma source(%arg17 : memref<3136xf32, #tpu.memory_space<vmem>>) target(%dma_start3A_209 : memref<3136xf32, #tpu.memory_space<hbm>>) target_semaphore(%run_scoped3A : memref<!tpu.dma_semaphore, #tpu.memory_space<semaphore_mem>>)
      %dma_wait3A = tpu.memref_slice %arg7[%add3A_208] : memref<200704xf32, #tpu.memory_space<hbm>> -> memref<3136xf32, #tpu.memory_space<hbm>>
      %dma_wait3A_210 = tpu.memref_slice %arg7[%add3A_208] : memref<200704xf32, #tpu.memory_space<hbm>> -> memref<3136xf32, #tpu.memory_space<hbm>>
      tpu.wait_dma2 semaphore(%run_scoped3A : memref<!tpu.dma_semaphore, #tpu.memory_space<semaphore_mem>>) src(%arg17 : memref<3136xf32, #tpu.memory_space<vmem>>) dst(%dma_wait3A_210 : memref<3136xf32, #tpu.memory_space<hbm>>)
      tpu.yield
    }) : () -> ()
    return
  }
}

module attributes {stable_mosaic.version = 14 : i64} {
  func.func @_combine(%arg0: memref<2x8x12544xf32, #tpu.memory_space<vmem>>, %arg1: memref<8x12544xf32, #tpu.memory_space<vmem>>) attributes {dimension_semantics = [], scalar_prefetch = 0 : i64, scratch_operands = 0 : i64, tpu.core_type = #tpu.core_type<tc>} {
    %get3A = arith.constant 0 : index
    %get3A_0 = arith.constant 0 : index
    %get3A_1 = arith.constant 0 : index
    %get3A_2 = vector.load %arg0[%get3A, %get3A_0, %get3A_1] : memref<2x8x12544xf32, #tpu.memory_space<vmem>>, vector<1x8x12544xf32>
    %get3A_3 = vector.shape_cast %get3A_2 : vector<1x8x12544xf32> to vector<8x12544xf32>
    %get3A_4 = arith.constant 1 : index
    %get3A_5 = arith.constant 0 : index
    %get3A_6 = arith.constant 0 : index
    %get3A_7 = vector.load %arg0[%get3A_4, %get3A_5, %get3A_6] : memref<2x8x12544xf32, #tpu.memory_space<vmem>>, vector<1x8x12544xf32>
    %get3A_8 = vector.shape_cast %get3A_7 : vector<1x8x12544xf32> to vector<8x12544xf32>
    %max3A = arith.maximumf %get3A_3, %get3A_8 : vector<8x12544xf32>
    %swap3A = arith.constant 0 : index
    %swap3A_9 = arith.constant 0 : index
    %swap3A_10 = vector.load %arg1[%swap3A, %swap3A_9] : memref<8x12544xf32, #tpu.memory_space<vmem>>, vector<8x12544xf32>
    tpu.vector_store %arg1[%swap3A, %swap3A_9], %max3A {strides = array<i32>} : memref<8x12544xf32, #tpu.memory_space<vmem>>, vector<8x12544xf32>,
    return
  }
}

</mosaic_0001>

<sc_bundles>
// kernel: kernel.4.cloned.1.call-start
scs
__scs_entry_jumppad:
0x0: {  	(pc) =	sbr.rel $0x88, $3  }
0x1: {  	(tag) =	ssettag $0x0;
	lr =	simm.s32 $0x1  }
0x2: {  	[smem:$0x3F9E] =	sst lr;
	_ =	strace $0xD0000000  }
0x3: {  	_ = 	snop  }
0x4: {  	_ = 	snop  }
0x5: {  	_ = 	snop  }
0x6: {  	_ = 	snop  }
0x7: {  	_ = 	snop  }
__scs_overlays_trampoline_lowered:
0x8: {  	[smem:$0x3FAD] =	sst s0  }
0x9: {  	[smem:$0x3FAE] =	sst s1  }
0xa: {  	[smem:$0x3FAF] =	sst s2  }
0xb: {  	[smem:$0x3FB0] =	sst s3  }
0xc: {  	[smem:$0x3FB1] =	sst s4  }
0xd: {  	[smem:$0x3FB2] =	sst s5  }
0xe: {  	[smem:$0x3FB3] =	sst s6  }
0xf: {  	[smem:$0x3FB4] =	sst s7  }
0x10: {  	[smem:$0x3FB5] =	sst s8  }
0x11: {  	[smem:$0x3FB6] =	sst s9;
	s0 =	simm.s32 @!p0 $0x0  }
0x12: {  	s1 =	sld [smem:$0x3F9C];
	s0 =	simm.s32 @p0 $0x1  }
0x13: {  	[smem:$0x3FB7] =	sst s0;
	s0 =	simm.s32 @!p1 $0x0  }
0x14: {  	s2 =	sld [smem:$0x3F9B];
	s0 =	simm.s32 @p1 $0x1  }
0x15: {  	[smem:$0x3FB8] =	sst s0;
	s0 =	simm.s32 @!p2 $0x0  }
0x16: {  	s3 =	sld [smem:$0x3FDB];
	s0 =	simm.s32 @p2 $0x1  }
0x17: {  	s4 =	simm.s32 $0x1BF5;
	[smem:$0x3FBA] =	sst s0  }
0x18: {  	s0 =	sld [smem:$0x3F9D];
	_ =	swait.ge [sflag:s4], $0x0  }
0x19: {  	s7 =	sld [smem:$0x3F9E]  }
0x1a: {  	s8 =	sadd.s32 $0xFFFFE003, lr  }
0x1b: {  	s9 =	sadd.s32 $0xFFFFFEF7, lr;
	s5 =	simm.s32 $0xFFFFFFFF;
	p2 =	slt.u32 s8, $0xFFFFF086  }
0x1c: {  	p1 =	slt.u32 s9, $0xF7A;
	s5 =	simm.s32 @!p2 $0x0  }
0x1d: {  	s5 =	simm.s32 @p1 $0x1;
	p0 =	seq.s32 s7, s2  }
0x1e: {  	s7 =	smul.u32 @!p0 $0xF7A, s2;
	p2 =	seq.s32 @!p0 s5, $0x0  }
0x1f: {  	s9 =	smul.u32 $0xF7A, s1;
	s8 =	simm.s32 @!p0 $0x1BF5;
	p2 =	por !p2, p0  }
0x20: {  	[sflag:s8] =	ssyncset.s32 @!p0 $0xFFFFF086;
	s6 =	sadd.s32 @!p0 s3, s7;
	s7 =	simm.s32 @!p0 $0x108  }
0x21: {  	s3 =	sadd.s32 s3, s9;
	s6 =	sadd.s32 @!p0 $0x88, s6;
	s7 =	simm.s32 @p2 $0x1082  }
0x22: {  	[simem:s7], [sflag:s8] =	dma.local @!p0 [hbm:s6], $0xF7A  }
0x23: {  	s9 =	sor.u32 $0xD0000000, s2;
	s6 =	simm.s32 $0x108;
	_ =	swait.ge @!p0 [sflag:s8], $0x0  }
0x24: {  	s3 =	sadd.s32 $0x88, s3;
	s6 =	simm.s32 @!p1 $0x1082;
	[sflag:s4] =	ssyncset.s32 $0xFFFFF086  }
0x25: {  	[simem:s6], [sflag:s4] =	dma.local [hbm:s3], $0xF7A  }
0x26: {  	[smem:$0x3F9E] =	sst s1;
	(tag) =	ssettag s2;
	_ =	strace s9  }
0x27: {  	s1 =	sld [smem:$0x3FAE]  }
0x28: {  	s2 =	sld [smem:$0x3FAF]  }
0x29: {  	s4 =	sld [smem:$0x3FB1]  }
0x2a: {  	p0 =	seq.s32 s5, $0x0;
	s5 =	sld [smem:$0x3FB2]  }
0x2b: {  	s6 =	sld [smem:$0x3FB3]  }
0x2c: {  	s7 =	sld [smem:$0x3FB4]  }
0x2d: {  	s3 =	simm.s32 $0x108;
	s8 =	sld [smem:$0x3FB5]  }
0x2e: {  	s3 =	simm.s32 @!p0 $0x1082;
	s9 =	sld [smem:$0x3FB6]  }
0x2f: {  	lr =	sadd.s32 s0, s3;
	s0 =	sld [smem:$0x3FAD]  }
0x30: {  	s3 =	sld [smem:$0x3FB0]  }
0x31: {  	[smem:$0x3FB9] =	sst s10  }
0x32: {  	s10 =	sld [smem:$0x3FB7];
	_ =	sdelay $0x3  }
0x33: {  	p0 =	seq.s32 s10, $0x1;
	s10 =	sld [smem:$0x3FB9];
	_ =	sdelay $0x3  }
0x34: {  	[smem:$0x3FB9] =	sst s10  }
0x35: {  	s10 =	sld [smem:$0x3FB8];
	_ =	sdelay $0x3  }
0x36: {  	p1 =	seq.s32 s10, $0x1;
	s10 =	sld [smem:$0x3FB9];
	_ =	sdelay $0x3  }
0x37: {  	[smem:$0x3FB9] =	sst s10  }
0x38: {  	s10 =	sld [smem:$0x3FBA]  }
0x39: {  	_ = 	snop;
	(pc) =	sbr.ind lr, $3  }
0x3a: {  	_ = 	snop  }
0x3b: {  	_ = 	snop  }
0x3c: {  	p2 =	seq.s32 s10, $0x1;
	s10 =	sld [smem:$0x3FB9]  }
0x3d: {  	_ =	shalt  }
0x3e: {  	_ =	shalt  }
0x3f: {  	_ =	shalt  }
0x40: {  	_ =	shalt  }
0x41: {  	_ =	shalt  }
0x42: {  	_ =	shalt  }
0x43: {  	_ =	shalt  }
0x44: {  	_ =	shalt  }
0x45: {  	_ =	shalt  }
0x46: {  	_ =	shalt  }
0x47: {  	_ =	shalt  }
0x48: {  	_ =	shalt  }
0x49: {  	_ =	shalt  }
0x4a: {  	_ =	shalt  }
0x4b: {  	_ =	shalt  }
0x4c: {  	_ =	shalt  }
0x4d: {  	_ =	shalt  }
0x4e: {  	_ =	shalt  }
0x4f: {  	_ =	shalt  }
0x50: {  	_ =	shalt  }
0x51: {  	_ =	shalt  }
0x52: {  	_ =	shalt  }
0x53: {  	_ =	shalt  }
0x54: {  	_ =	shalt  }
0x55: {  	_ =	shalt  }
0x56: {  	_ =	shalt  }
0x57: {  	_ =	shalt  }
0x58: {  	_ =	shalt  }
0x59: {  	_ =	shalt  }
0x5a: {  	_ =	shalt  }
0x5b: {  	_ =	shalt  }
0x5c: {  	_ =	shalt  }
0x5d: {  	_ =	shalt  }
0x5e: {  	_ =	shalt  }
0x5f: {  	_ =	shalt  }
0x60: {  	_ =	shalt  }
0x61: {  	_ =	shalt  }
0x62: {  	_ =	shalt  }
0x63: {  	_ =	shalt  }
0x64: {  	_ =	shalt  }
0x65: {  	_ =	shalt  }
0x66: {  	_ =	shalt  }
0x67: {  	_ =	shalt  }
0x68: {  	_ =	shalt  }
0x69: {  	_ =	shalt  }
0x6a: {  	_ =	shalt  }
0x6b: {  	_ =	shalt  }
0x6c: {  	_ =	shalt  }
0x6d: {  	_ =	shalt  }
0x6e: {  	_ =	shalt  }
0x6f: {  	_ =	shalt  }
0x70: {  	_ =	shalt  }
0x71: {  	_ =	shalt  }
0x72: {  	_ =	shalt  }
0x73: {  	_ =	shalt  }
0x74: {  	_ =	shalt  }
0x75: {  	_ =	shalt  }
0x76: {  	_ =	shalt  }
0x77: {  	_ =	shalt  }
0x78: {  	_ =	shalt  }
0x79: {  	_ =	shalt  }
0x7a: {  	_ =	shalt  }
0x7b: {  	_ =	shalt  }
0x7c: {  	_ =	shalt  }
0x7d: {  	_ =	shalt  }
0x7e: {  	_ =	shalt  }
0x7f: {  	_ =	shalt  }
0x80: {  	_ =	shalt  }
0x81: {  	_ =	shalt  }
0x82: {  	_ =	shalt  }
0x83: {  	_ =	shalt  }
0x84: {  	_ =	shalt  }
0x85: {  	_ =	shalt  }
0x86: {  	_ =	shalt  }
0x87: {  	_ =	shalt  }
.Lfunc_end0:
.L_simem_size_0:
called_computation_lowered:
.L_overlay_start_0:
0x88: {  	s2 =	sld [smem:$0x3FD9]  }
0x89: {  	s3 =	sld [smem:$0x3FFE];
	_ =	sdelay $0x1  }
0x8a: {  	s1 =	srdreg.scid  }
0x8b: {  	s0 =	sand.u32 $0x1, s1  }
0x8c: {  	s14 =	sshll.u32 s0, $0xA;
	s2 =	sadd.s32 s3, s2  }
0x8d: {  	s2 =	sadd.s32 s2, s14  }
0x8e: {  	[smem:$0x3FC5] =	sst s2  }
0x8f: {  	_ = 	snop  }
0x90: {  	s2 =	sld [smem:$0x3FD0];
	_ =	sdelay $0x1  }
0x91: {  	s15 =	sld [smem:$0x3FC8]  }
0x92: {  	s5 =	simm.s32 $0xA;
	s6 =	simm.s32 $0x10;
	s4 =	sld [smem:$0x3FC7]  }
0x93: {  	[smem:s6], [sflag:s5] =	dma.local [hbm:s2], $0x1  }
0x94: {  	_ =	swait.eq [sflag:s5], $0x1  }
0x95: {  	[sflag:s5] =	ssyncset.done $0x0  }
0x96: {  	s16 =	sld [smem:$0x10];
	[sflag:s5] =	ssyncadd.s32 $0xFFFFFFFF  }
0x97: {  	s17 =	sld [smem:$0x11];
	(tm) =	ssettm $0x1  }
0x98: {  	s18 =	sld [smem:$0x3FFB];
	_ =	sdelay $0x3  }
0x99: {  	_ =	strace s18  }
0x9a: {  	s6 =	sld [smem:$0x3FFC];
	_ =	sdelay $0x3  }
0x9b: {  	_ =	strace s6  }
0x9c: {  	s6 =	sld [smem:$0x3FFD];
	_ =	sdelay $0x3  }
0x9d: {  	_ =	strace s6  }
0x9e: {  	_ =	strace $0x8FFFFFFF  }
0x9f: {  	s19 =	sld [smem:$0x3FDB];
	_ =	sdelay $0x1  }
0xa0: {  	s7 =	simm.s32 $_scs_section_size  }
0xa1: {  	s8 =	simm.s32 $_size__tile_overlayer_lowered;
	s9 =	simm.s32 $_tile_overlayer_lowered  }
0xa2: {  	s22 =	simm.s32 $0x1BFF;
	s21 =	sshll.u32 s9, $0x1;
	s6 =	sadd.s32 s7, s19  }
0xa3: {  	s10 =	simm.s32 $0x0;
	s20 =	sshll.u32 s8, $0x1;
	s8 =	sadd.s32 s21, s6  }
0xa4: {  	[timem:s10], [sflag:s22] =	dma.local [hbm:s8], s20  }
0xa5: {  	_ =	swait.ge [sflag:s22], s20  }
0xa6: {  	s7 =	ssub.s32 $0x0, s20;
	[sflag:s22] =	ssyncset.done $0x0  }
0xa7: {  	[sflag:s22] =	ssyncadd.s32 s7;
	_ =	sdelay $0x1  }
0xa8: {  	s23 =	simm.s32 $0x1B8B  }
0xa9: {  	_ =	swait.ge [sflag:s23], $0x1  }
0xaa: {  	[sflag:s23] =	ssyncset.done $0x0  }
0xab: {  	s25 =	simm.s32 $0x1B8E;
	s24 =	sld [smem:$0x3FFE];
	[sflag:s23] =	ssyncadd.s32 $0xFFFFFFFF  }
0xac: {  	s26 =	simm.s32 $execute0_lowered;
	[smem:$0x3FD2] =	sst s25  }
0xad: {  	s8 =	sshll.u32 s26, $0x1;
	_ =	strace $0x80000046;
	[dreg:$0x1] =	wrdreg $0xFFFFFFFF  }
0xae: {  	s28 =	simm.s32 $_size_execute0_lowered;
	s6 =	sadd.s32 s6, s8;
	[dreg:$0x0] =	wrdreg $0x0  }
0xaf: {  	s8 =	sshll.u32 s28, $0x1;
	[dreg:$0x2] =	wrdreg s6  }
0xb0: {  	[dreg:$0x3] =	wrdreg s8  }
0xb1: {  	[dreg:$0x4] =	wrdreg $0xC0  }
0xb2: {  	_ =	task [dreg:s10], $0x5FFFF  }
0xb3: {  	[dreg:$0x1] =	wrdreg $0xFFFFFFFF  }
0xb4: {  	[dreg:$0x0] =	wrdreg $0x60  }
0xb5: {  	[dreg:$0x2] =	wrdreg s24  }
0xb6: {  	[dreg:$0x3] =	wrdreg s15  }
0xb7: {  	[dreg:$0x4] =	wrdreg s4  }
0xb8: {  	[dreg:$0x5] =	wrdreg s16  }
0xb9: {  	[dreg:$0x6] =	wrdreg s17  }
0xba: {  	[dreg:$0x7] =	wrdreg $0x1DD000  }
0xbb: {  	[dreg:$0x8] =	wrdreg $0x9  }
0xbc: {  	_ =	task.clear_ibuf [dreg:s10], $0x9FFFF;
	_ =	strace $0x90000046  }
0xbd: {  	s29 =	simm.s32 $0x9;
	_ =	strace $0x8000004E  }
0xbe: {  	_ =	swait.ge [sflag:s29], $0x1  }
0xbf: {  	[sflag:s29] =	ssyncadd.s32 $0xFFFFFFFF  }
0xc0: {  	_ =	strace $0x9000004E  }
0xc1: {  	_ =	sfence  }
0xc2: {  	s30 =	sld [smem:$0x0];
	_ =	sdelay $0x2  }
0xc3: {  	s31 =	sshll.u32 s1, $0xD;
	s1 =	sshrl.u32 s1, $0x2  }
0xc4: {  	s3 =	sand.u32 $0x4000, s31;
	s1 =	sadd.s32 s1, s30  }
0xc5: {  	s0 =	sor.u32 s3, s0;
	s1 =	sshll.u32 s1, $0x11  }
0xc6: {  	s0 =	sor.u32 s1, s0  }
0xc7: {  	s0 =	sadd.s32 $0x8F2B, s0  }
0xc8: {  	[sflag:s0] =	ssyncadd.remote.s32 $0x1  }
0xc9: {  	_ =	sfence.sel $0xFFFF  }
0xca: {  	[dreg:$0x0] =	wrdreg $0xFFFFFFFF;
	(pc) =	sbr.abs _section_cstart, $3  }
0xcb: {  	[dreg:$0x1] =	wrdreg $0xFFFFFFFF  }
0xcc: {  	_ =	task.clear_ibuf [dreg:s10], $0x2FFFF;
	_ =	strace $0x9FFFFFFF  }
0xcd: {  	(tm) =	ssettm $0x7FFFFFFF  }
tec
execute0_lowered:
.L_overlay_start_1:
0x0: {  	(tag) =	ssettag $0x1  }
0x1: {  	s4 =	rddreg [dreg:$0x0]  }
0x2: {  	s0 =	rddreg [dreg:$0x1]  }
0x3: {  	s1 =	rddreg [dreg:$0x2]  }
0x4: {  	s3 =	rddreg [dreg:$0x3]  }
0x5: {  	s2 =	srdreg.scid;
	s5 =	rddreg [dreg:$0x4]  }
0x6: {  	s6 =	rddreg [dreg:$0x5];
	s7 =	simm.s32 $0x0;
	s30 =	simm.s32 $0x18800  }
0x7: {  	s31 =	simm.s32 $0x1D080;
	s29 =	simm.s32 $0x0;
	s8 =	sand.u32 $0x1, s2  }
0x8: {  	s2 =	stileid.u32;
	[smem:$0x7FF] =	sst s7;
	s17 =	sadd.s32 $0x800, s4  }
0x9: {  	s11 =	sadd.s32 $0x190600, s4;
	s15 =	sadd.s32 $0x38D4, s4;
	s9 =	smul.u32 $0x18800, s8  }
0xa: {  	s10 =	smul.u32 $0x1880, s2;
	_ =	strace $0x80000047;
	[dreg:$0x7] =	wrdreg s17  }
0xb: {  	s14 =	sshll.u32 s2, $0x1;
	s12 =	ssub.s32 $0x2, s8;
	s17 =	smul.u32 $0x3100, s2  }
0xc: {  	[dreg:$0x8] =	wrdreg s15;
	p0 =	slt.u32 s2, $0x5;
	p1 =	sgt.u32 s2, $0x4  }
0xd: {  	s18 =	sshrl.u32 s12, $0x1;
	s9 =	sadd.s32 s10, s9;
	s10 =	sor.u32 s8, s14  }
0xe: {  	s8 =	ssub.s32 s12, s18;
	s21 =	sshrl.u32 s17, $0x2;
	s9 =	sshrl.u32 s9, $0x3  }
0xf: {  	s16 =	sshll.u32 s10, $0x8;
	s28 =	smax.u32 s8, $0x1;
	s13 =	sadd.s32 s9, s4  }
0x10: {  	s9 =	sadd.s32 $0x9C00, s4;
	s4 =	sadd.s32 $0x69A8, s4;
	[dreg:$0xf] =	wrdreg s28  }
0x11: {  	s18 =	ssub.s32 $0x186A, s14;
	s23 =	sadd.s32 s11, s16;
	[dreg:$0x9] =	wrdreg s4  }
0x12: {  	s19 =	sshll.u32 s10, $0x6;
	s24 =	sadd.s32 s0, s16;
	[dreg:$0xc] =	wrdreg s23  }
0x13: {  	s22 =	sadd.s32 s1, s19;
	s20 =	sadd.s32 s9, s16;
	[dreg:$0xa] =	wrdreg s24  }
0x14: {  	s19 =	sadd.s32 s21, s6;
	s25 =	sadd.s32 $0x317000, s13;
	[dreg:$0xb] =	wrdreg s20  }
0x15: {  	s26 =	sadd.s32 $0x317188, s13;
	s23 =	simm.s32 $0x3;
	[dreg:$0xd] =	wrdreg s25  }
0x16: {  	v0 =	vimm.f32 $0.0e+00;
	[dreg:$0xe] =	wrdreg s26;
	s25 =	simm.s32 $0x1;
	s26 =	simm.s32 $0x2  }
.LBB2_1:
0x17: {  	s4 =	rddreg [dreg:$0x7]  }
0x18: {  	[tilespmem:s7], [sflag:$0x3] =	stream.linear.gather [hbm4b:s4+s7], $0x186A0, $0x38;
	[tilespmem:$0x1E940] =	vst v63  }
.Ltmp0:
0x19: {  	_ =	swait.ge [sflag:s23], $0x186A0;
	(pc) =	sbr.rel .LBB2_2-.Ltmp0, $4  }
0x1a: {  	[sflag:s23] =	ssyncset.done $0x0  }
0x1b: {  	[sflag:s23] =	ssyncadd.s32 $0xFFFE7960  }
0x1c: {  	[tilespmem:s30], [sflag:$0x1] =	stream.linear.gather [hbm4b:s24+s7], $0x800, $0x38;
	[tilespmem:$0x1E940] =	vst v63  }
0x1d: {  	s13 =	simm.s32 $0x0;
	_ =	strace $0x80000048  }
.LBB2_6:
0x1e: {  	p2 =	sne.s32 s4, $0xC4  }
.Ltmp1:
0x1f: {  	_ = 	snop;
	(pc) =	sbr.rel @!p2 .LBB2_7-.Ltmp1, $2  }
0x20: {  	_ =	sdelay $0x2  }
0x21: {  	s13 =	smov.u32 s4  }
.LBB2_2:
0x22: {  	s4 =	sadd.s32 $0x1, s13  }
0x23: {  	s8 =	sshll.u32 s4, $0x5  }
0x24: {  	s14 =	sor.u32 s10, s8  }
0x25: {  	p2 =	sgt.u32 s14, $0x1869  }
0x26: {  	s28 =	sshll.u32 s13, $0x5;
	s16 =	sshll.u32 @!p2 s4, $0xB  }
0x27: {  	s8 =	sor.u32 s10, s28;
	s14 =	sshll.u32 @!p2 s14, $0x8;
	s16 =	sand.u32 @!p2 $0x800, s16  }
0x28: {  	s17 =	simm.s32 @!p2 $0x0;
	s14 =	sadd.s32 @!p2 s0, s14;
	s16 =	sadd.s32 @!p2 $0x18800, s16  }
0x29: {  	[tilespmem:s16], [sflag:$0x1] =	stream.linear.gather @!p2 [hbm4b:s14+s17], $0x800, $0x200038;
	[tilespmem:$0x1E940] =	vst v63  }
0x2a: {  	p2 =	sgt.u32 s8, $0x1869  }
.Ltmp2:
0x2b: {  	_ = 	snop;
	(pc) =	sbr.rel @p2 .LBB2_6-.Ltmp2, $1  }
0x2c: {  	_ =	sdelay $0x3  }
0x2d: {  	_ =	swait.ge [sflag:s25], $0x800  }
0x2e: {  	p2 =	slt.u32 s13, $0x2;
	[sflag:s25] =	ssyncset.done $0x0  }
0x2f: {  	s28 =	sshll.u32 s13, $0xD;
	s14 =	simm.s32 @!p2 $0x2;
	[sflag:s25] =	ssyncadd.s32 $0xFFFFF800  }
0x30: {  	s16 =	simm.s32 $0x0;
	s13 =	sand.u32 $0x2000, s28;
	_ =	swait.ge @!p2 [sflag:s14], $0x800  }
0x31: {  	s17 =	simm.s32 $0x0;
	s13 =	sshrl.u32 s13, $0x2;
	[sflag:s14] =	ssyncset.done @!p2 $0x0  }
0x32: {  	[sflag:s14] =	ssyncadd.s32 @!p2 $0xFFFFF800;
	s14 =	sadd.s32 $0x18800, s13;
	s13 =	sadd.s32 $0x19800, s13  }
.LBB2_4:
0x33: {  	s20 =	sshrl.u32 s17, $0x2  }
0x34: {  	s20 =	sand.u32 $0x1FFFFE00, s20  }
0x35: {  	s21 =	sand.u32 $0x70, s16;
	s28 =	sadd.s32 s20, s14  }
0x36: {  	s28 =	sadd.s32 s21, s28  }
0x37: {  	v1 =	vld [tilespmem:s28+$0x0];
	_ =	sdelay $0x7  }
0x38: {  	v1 =	vld.idx.msk [tilespmem:v1+s7+$0x0], $0xffff;
	_ =	sdelay $0x2  }
0x39: {  	s20 =	sadd.s32 s20, s13  }
0x3a: {  	s20 =	sadd.s32 s21, s20  }
0x3b: {  	[tilespmem:s20+$0x0] =	vst v1  }
0x3c: {  	v1 =	vld [tilespmem:s28+$0x80];
	_ =	sdelay $0x7  }
0x3d: {  	v1 =	vld.idx.msk [tilespmem:v1+s7+$0x0], $0xffff;
	_ =	sdelay $0x4  }
0x3e: {  	[tilespmem:s20+$0x80] =	vst v1  }
0x3f: {  	v1 =	vld [tilespmem:s28+$0x100];
	_ =	sdelay $0x7  }
0x40: {  	v1 =	vld.idx.msk [tilespmem:v1+s7+$0x0], $0xffff;
	_ =	sdelay $0x4  }
0x41: {  	[tilespmem:s20+$0x100] =	vst v1  }
0x42: {  	v1 =	vld [tilespmem:s28+$0x180];
	_ =	sdelay $0x7  }
0x43: {  	p2 =	sne.s32 s17, $0x1F00;
	v1 =	vld.idx.msk [tilespmem:v1+s7+$0x0], $0xffff  }
.Ltmp3:
0x44: {  	_ = 	snop;
	(pc) =	sbr.rel @p2 .LBB2_4-.Ltmp3, $2  }
0x45: {  	_ =	sdelay $0x2  }
0x46: {  	s16 =	sadd.s32 $0x10, s16;
	s17 =	sadd.s32 $0x100, s17;
	[tilespmem:s20+$0x180] =	vst v1  }
.Ltmp4:
0x47: {  	(pc) =	sbr.rel .LBB2_6-.Ltmp4, $4  }
0x48: {  	_ = 	snop  }
0x49: {  	s8 =	sshll.u32 s8, $0x8  }
0x4a: {  	s8 =	sadd.s32 s9, s8  }
0x4b: {  	[hbm4b:s8+s7] =	stream.linear.scatter [tilespmem:s13], [sflag:$0x2], $0x800, $0x200038;
	[tilespmem:$0x1E940] =	vst v63  }
.LBB2_7:
0x4c: {  	_ =	strace $0x90000048  }
0x4d: {  	_ =	swait.ge [sflag:s26], $0x800  }
0x4e: {  	[sflag:s26] =	ssyncset.done $0x0  }
0x4f: {  	[sflag:s26] =	ssyncadd.s32 $0xFFFFF800  }
0x50: {  	_ =	swait.ge [sflag:s26], $0x800  }
0x51: {  	[sflag:s26] =	ssyncset.done $0x0  }
0x52: {  	s13 =	simm.s32 $0x0;
	s4 =	rddreg [dreg:$0x8];
	[sflag:s26] =	ssyncadd.s32 $0xFFFFF800  }
0x53: {  	[tilespmem:s13], [sflag:$0x3] =	stream.linear.gather [hbm4b:s4+s13], $0x186A0, $0x38;
	[tilespmem:$0x1E940] =	vst v63  }
.Ltmp5:
0x54: {  	_ =	swait.ge [sflag:s23], $0x186A0;
	(pc) =	sbr.rel .LBB2_8-.Ltmp5, $4  }
0x55: {  	[sflag:s23] =	ssyncset.done $0x0  }
0x56: {  	[sflag:s23] =	ssyncadd.s32 $0xFFFE7960  }
0x57: {  	[tilespmem:s30], [sflag:$0x1] =	stream.linear.gather [hbm4b:s24+s13], $0x800, $0x38;
	[tilespmem:$0x1E940] =	vst v63  }
0x58: {  	_ =	strace $0x80000049  }
.LBB2_12:
0x59: {  	p2 =	sne.s32 s4, $0xC4  }
.Ltmp6:
0x5a: {  	_ = 	snop;
	(pc) =	sbr.rel @!p2 .LBB2_13-.Ltmp6, $2  }
0x5b: {  	_ =	sdelay $0x2  }
0x5c: {  	s13 =	smov.u32 s4  }
.LBB2_8:
0x5d: {  	s4 =	sadd.s32 $0x1, s13  }
0x5e: {  	s8 =	sshll.u32 s4, $0x5  }
0x5f: {  	s14 =	sor.u32 s10, s8  }
0x60: {  	p2 =	sgt.u32 s14, $0x1869  }
0x61: {  	s28 =	sshll.u32 s13, $0x5;
	s16 =	sshll.u32 @!p2 s4, $0xB  }
0x62: {  	s8 =	sor.u32 s10, s28;
	s14 =	sshll.u32 @!p2 s14, $0x8;
	s16 =	sand.u32 @!p2 $0x800, s16  }
0x63: {  	s17 =	simm.s32 @!p2 $0x0;
	s14 =	sadd.s32 @!p2 s0, s14;
	s16 =	sadd.s32 @!p2 $0x18800, s16  }
0x64: {  	[tilespmem:s16], [sflag:$0x1] =	stream.linear.gather @!p2 [hbm4b:s14+s17], $0x800, $0x200038;
	[tilespmem:$0x1E940] =	vst v63  }
0x65: {  	p2 =	sgt.u32 s8, $0x1869  }
.Ltmp7:
0x66: {  	_ = 	snop;
	(pc) =	sbr.rel @p2 .LBB2_12-.Ltmp7, $1  }
0x67: {  	_ =	sdelay $0x3  }
0x68: {  	_ =	swait.ge [sflag:s25], $0x800  }
0x69: {  	p2 =	slt.u32 s13, $0x2;
	[sflag:s25] =	ssyncset.done $0x0  }
0x6a: {  	s28 =	sshll.u32 s13, $0xD;
	s14 =	simm.s32 @!p2 $0x2;
	[sflag:s25] =	ssyncadd.s32 $0xFFFFF800  }
0x6b: {  	s16 =	simm.s32 $0x0;
	s13 =	sand.u32 $0x2000, s28;
	_ =	swait.ge @!p2 [sflag:s14], $0x800  }
0x6c: {  	s17 =	simm.s32 $0x0;
	s13 =	sshrl.u32 s13, $0x2;
	[sflag:s14] =	ssyncset.done @!p2 $0x0  }
0x6d: {  	[sflag:s14] =	ssyncadd.s32 @!p2 $0xFFFFF800;
	s14 =	sadd.s32 $0x18800, s13;
	s13 =	sadd.s32 $0x1A800, s13  }
.LBB2_10:
0x6e: {  	s20 =	sshrl.u32 s17, $0x2  }
0x6f: {  	s20 =	sand.u32 $0x1FFFFE00, s20  }
0x70: {  	s21 =	sand.u32 $0x70, s16;
	s28 =	sadd.s32 s20, s14  }
0x71: {  	s28 =	sadd.s32 s21, s28  }
0x72: {  	v1 =	vld [tilespmem:s28+$0x0];
	_ =	sdelay $0x7  }
0x73: {  	v1 =	vld.idx.msk [tilespmem:v1+s7+$0x0], $0xffff;
	_ =	sdelay $0x2  }
0x74: {  	s20 =	sadd.s32 s20, s13  }
0x75: {  	s20 =	sadd.s32 s21, s20  }
0x76: {  	[tilespmem:s20+$0x0] =	vst v1  }
0x77: {  	v1 =	vld [tilespmem:s28+$0x80];
	_ =	sdelay $0x7  }
0x78: {  	v1 =	vld.idx.msk [tilespmem:v1+s7+$0x0], $0xffff;
	_ =	sdelay $0x4  }
0x79: {  	[tilespmem:s20+$0x80] =	vst v1  }
0x7a: {  	v1 =	vld [tilespmem:s28+$0x100];
	_ =	sdelay $0x7  }
0x7b: {  	v1 =	vld.idx.msk [tilespmem:v1+s7+$0x0], $0xffff;
	_ =	sdelay $0x4  }
0x7c: {  	[tilespmem:s20+$0x100] =	vst v1  }
0x7d: {  	v1 =	vld [tilespmem:s28+$0x180];
	_ =	sdelay $0x7  }
0x7e: {  	p2 =	sne.s32 s17, $0x1F00;
	v1 =	vld.idx.msk [tilespmem:v1+s7+$0x0], $0xffff  }
.Ltmp8:
0x7f: {  	_ = 	snop;
	(pc) =	sbr.rel @p2 .LBB2_10-.Ltmp8, $2  }
0x80: {  	_ =	sdelay $0x2  }
0x81: {  	s16 =	sadd.s32 $0x10, s16;
	s17 =	sadd.s32 $0x100, s17;
	[tilespmem:s20+$0x180] =	vst v1  }
.Ltmp9:
0x82: {  	(pc) =	sbr.rel .LBB2_12-.Ltmp9, $4  }
0x83: {  	_ = 	snop  }
0x84: {  	s8 =	sshll.u32 s8, $0x8  }
0x85: {  	s8 =	sadd.s32 s11, s8  }
0x86: {  	[hbm4b:s8+s7] =	stream.linear.scatter [tilespmem:s13], [sflag:$0x2], $0x800, $0x200038;
	[tilespmem:$0x1E940] =	vst v63  }
.LBB2_13:
0x87: {  	_ =	strace $0x90000049  }
0x88: {  	_ =	swait.ge [sflag:s26], $0x800  }
0x89: {  	[sflag:s26] =	ssyncset.done $0x0  }
0x8a: {  	[sflag:s26] =	ssyncadd.s32 $0xFFFFF800  }
0x8b: {  	_ =	swait.ge [sflag:s26], $0x800  }
0x8c: {  	[sflag:s26] =	ssyncset.done $0x0  }
0x8d: {  	s4 =	simm.s32 $0x0;
	s8 =	rddreg [dreg:$0x9];
	[sflag:s26] =	ssyncadd.s32 $0xFFFFF800  }
0x8e: {  	[tilespmem:s4], [sflag:$0x3] =	stream.linear.gather [hbm4b:s8+s4], $0x186A0, $0x38;
	[tilespmem:$0x1E940] =	vst v63  }
0x8f: {  	_ =	swait.ge [sflag:s23], $0x186A0  }
0x90: {  	[sflag:s23] =	ssyncset.done $0x0  }
0x91: {  	[sflag:s23] =	ssyncadd.s32 $0xFFFE7960  }
0x92: {  	[tilespmem:s30], [sflag:$0x1] =	stream.linear.gather [hbm4b:s24+s4], $0x800, $0x38;
	[tilespmem:$0x1E940] =	vst v63  }
0x93: {  	s12 =	smov.u32 s22;
	s21 =	simm.s32 $0x1B800  }
0x94: {  	[tilespmem:s21], [sflag:$0x1] =	stream.linear.gather [hbm4b:s22+s4], $0x200, $0x38;
	[tilespmem:$0x1E940] =	vst v63  }
.Ltmp10:
0x95: {  	s13 =	simm.s32 $0x19800;
	s22 =	rddreg [dreg:$0xb];
	(pc) =	sbr.rel .LBB2_14-.Ltmp10, $4  }
0x96: {  	[tilespmem:s13], [sflag:$0x1] =	stream.linear.gather [hbm4b:s22+s4], $0x800, $0x38;
	[tilespmem:$0x1E940] =	vst v63  }
0x97: {  	s28 =	simm.s32 $0x1A800;
	s24 =	rddreg [dreg:$0xc]  }
0x98: {  	[tilespmem:s28], [sflag:$0x1] =	stream.linear.gather [hbm4b:s24+s4], $0x800, $0x38;
	[tilespmem:$0x1E940] =	vst v63  }
0x99: {  	s30 =	simm.s32 $0x0;
	_ =	strace $0x8000004A  }
.LBB2_18:
0x9a: {  	p2 =	sne.s32 s8, $0xC4  }
.Ltmp11:
0x9b: {  	_ = 	snop;
	(pc) =	sbr.rel @!p2 .LBB2_19-.Ltmp11, $2  }
0x9c: {  	_ =	sdelay $0x2  }
0x9d: {  	s30 =	sadd.s32 $0x200, s30;
	s4 =	smov.u32 s8  }
.LBB2_14:
0x9e: {  	s8 =	sadd.s32 $0x1, s4  }
0x9f: {  	s13 =	sshll.u32 s8, $0x5  }
0xa0: {  	s13 =	sor.u32 s10, s13  }
0xa1: {  	p2 =	sgt.u32 s13, $0x1869  }
0xa2: {  	s14 =	sshll.u32 @!p2 s8, $0xB  }
0xa3: {  	s16 =	sshll.u32 @!p2 s13, $0x8;
	s14 =	sand.u32 @!p2 $0x800, s14  }
0xa4: {  	s21 =	simm.s32 @!p2 $0x0;
	s20 =	sadd.s32 @!p2 s0, s16;
	s17 =	sadd.s32 @!p2 $0x18800, s14  }
0xa5: {  	[tilespmem:s17], [sflag:$0x1] =	stream.linear.gather @!p2 [hbm4b:s20+s21], $0x800, $0x200038;
	[tilespmem:$0x1E940] =	vst v63  }
0xa6: {  	s13 =	sshll.u32 @!p2 s13, $0x6;
	s17 =	sshrl.u32 @!p2 s14, $0x2  }
0xa7: {  	s13 =	sadd.s32 @!p2 s1, s13;
	s17 =	sor.u32 @!p2 $0x1B800, s17  }
0xa8: {  	[tilespmem:s17], [sflag:$0x1] =	stream.linear.gather @!p2 [hbm4b:s13+s21], $0x200, $0x200038;
	[tilespmem:$0x1E940] =	vst v63  }
0xa9: {  	s28 =	sshll.u32 s4, $0x5;
	s20 =	sadd.s32 @!p2 s9, s16;
	s17 =	sadd.s32 @!p2 $0x19800, s14  }
0xaa: {  	[tilespmem:s17], [sflag:$0x1] =	stream.linear.gather @!p2 [hbm4b:s20+s21], $0x800, $0x200038;
	[tilespmem:$0x1E940] =	vst v63  }
0xab: {  	s16 =	sadd.s32 @!p2 s11, s16;
	s13 =	sor.u32 s10, s28;
	s14 =	sadd.s32 @!p2 $0x1A800, s14  }
0xac: {  	[tilespmem:s14], [sflag:$0x1] =	stream.linear.gather @!p2 [hbm4b:s16+s21], $0x800, $0x200038;
	[tilespmem:$0x1E940] =	vst v63  }
0xad: {  	p2 =	sgt.u32 s13, $0x1869  }
.Ltmp12:
0xae: {  	_ = 	snop;
	(pc) =	sbr.rel @p2 .LBB2_18-.Ltmp12, $1  }
0xaf: {  	_ =	sdelay $0x3  }
0xb0: {  	_ =	swait.ge [sflag:s25], $0x800  }
0xb1: {  	[sflag:s25] =	ssyncset.done $0x0  }
0xb2: {  	[sflag:s25] =	ssyncadd.s32 $0xFFFFF800  }
0xb3: {  	_ =	swait.ge [sflag:s25], $0x200  }
0xb4: {  	[sflag:s25] =	ssyncset.done $0x0  }
0xb5: {  	[sflag:s25] =	ssyncadd.s32 $0xFFFFFE00  }
0xb6: {  	_ =	swait.ge [sflag:s25], $0x800  }
0xb7: {  	[sflag:s25] =	ssyncset.done $0x0  }
0xb8: {  	[sflag:s25] =	ssyncadd.s32 $0xFFFFF800  }
0xb9: {  	_ =	swait.ge [sflag:s25], $0x800  }
0xba: {  	p2 =	slt.u32 s4, $0x2;
	[sflag:s25] =	ssyncset.done $0x0  }
0xbb: {  	s16 =	simm.s32 @!p2 $0x2;
	[sflag:s25] =	ssyncadd.s32 $0xFFFFF800  }
0xbc: {  	_ =	swait.ge @!p2 [sflag:s16], $0x200  }
0xbd: {  	[sflag:s16] =	ssyncset.done @!p2 $0x0  }
0xbe: {  	s14 =	sand.u32 $0x1, s4;
	s20 =	simm.s32 $0x0;
	[sflag:s16] =	ssyncadd.s32 @!p2 $0xFFFFFE00  }
0xbf: {  	s4 =	sshll.u32 s14, $0xD;
	s28 =	sshll.u32 s14, $0xB;
	_ =	swait.ge @!p2 [sflag:s16], $0x200  }
0xc0: {  	s17 =	sand.u32 $0xFFFFFE00, s20;
	s4 =	sshrl.u32 s4, $0x2;
	[sflag:s16] =	ssyncset.done @!p2 $0x0  }
0xc1: {  	s21 =	sadd.s32 s28, s17;
	[sflag:s16] =	ssyncadd.s32 @!p2 $0xFFFFFE00;
	s16 =	simm.s32 $0x0  }
0xc2: {  	s20 =	sand.u32 $0x3FFFFE00, s20;
	s17 =	sadd.s32 $0x18800, s4;
	s22 =	sor.u32 s21, s16  }
0xc3: {  	s20 =	sadd.s32 s20, s17;
	s15 =	sand.u32 $0x70, s16;
	s22 =	sor.u32 $0x180, s22  }
0xc4: {  	s20 =	sadd.s32 s15, s20;
	v1 =	vld [tilespmem:s22+$0x19800]  }
0xc5: {  	v2 =	vld [tilespmem:s20+$0x0]  }
0xc6: {  	v3 =	vld [tilespmem:s20+$0x100]  }
0xc7: {  	s21 =	sor.u32 s15, s21;
	v4 =	vld [tilespmem:s20+$0x180]  }
0xc8: {  	v5 =	vld [tilespmem:s21+$0x19800]  }
0xc9: {  	v6 =	vld [tilespmem:s21+$0x1A800]  }
0xca: {  	v7 =	vld [tilespmem:s22+$0x1A800]  }
0xcb: {  	v8 =	vld [tilespmem:s21+$0x1A880]  }
0xcc: {  	v10 =	vld [tilespmem:s21+$0x19900]  }
0xcd: {  	v11 =	vld [tilespmem:s20+$0x80]  }
0xce: {  	v12 =	vld [tilespmem:s21+$0x19880];
	_ =	sdelay $0x1  }
0xcf: {  	v9 =	vld [tilespmem:s21+$0x1A900]  }
0xd0: {  	v8 =	vsub.f32 v8, v6  }
0xd1: {  	v13 =	vsub.f32 v1, v5;
	v10 =	vsub.f32 v10, v5  }
0xd2: {  	v7 =	vsub.f32 v7, v6;
	v5 =	vsub.f32 v12, v5;
	v1 =	vld.idx.msk [tilespmem:v4+s7+$0x0], $0xffff  }
0xd3: {  	v44 =	vsub.f32 v13, v10;
	v14 =	vmul.f32 v8, v8;
	v15 =	vmul.f32 v10, v10;
	v3 =	vld.idx.msk [tilespmem:v3+s7+$0x0], $0xffff  }
0xd4: {  	v17 =	vmul.f32 v5, v5;
	v18 =	vsub.f32 v13, v5;
	v4 =	vsub.f32 v9, v6;
	v2 =	vld.idx.msk [tilespmem:v2+s7+$0x0], $0xffff  }
0xd5: {  	v20 =	vmul.f32 v13, v13;
	v21 =	vsub.f32 v10, v5;
	v46 =	vmul.f32 v7, v7;
	v11 =	vld.idx.msk [tilespmem:v11+s7+$0x0], $0xffff  }
0xd6: {  	v6 =	vsub.f32 v7, v8;
	v14 =	vadd.f32 v14, v17;
	v19 =	vmul.f32 v4, v4  }
0xd7: {  	v9 =	vmul.f32 v44, v44;
	v50 =	vadd.f32 v46, v20;
	v45 =	vsub.f32 v7, v4  }
0xd8: {  	v48 =	vmul.f32 v18, v18;
	v16 =	vsub.f32 v4, v8;
	v47 =	vadd.f32 v19, v15  }
0xd9: {  	v12 =	vmul.f32 v45, v45;
	v3 =	vsub.f32 v3, v2;
	v49 =	vsub.f32 v1, v2  }
0xda: {  	v16 =	vmul.f32 v16, v16;
	v1 =	vmul.f32 v6, v6;
	v2 =	vsub.f32 v11, v2  }
0xdb: {  	v6 =	vmul.f32 v21, v21;
	v9 =	vadd.f32 v12, v9;
	v51 =	vsub.f32 v49, v3  }
0xdc: {  	v52 =	vmul.f32 v49, v49;
	v1 =	vadd.f32 v1, v48;
	v53 =	vsub.f32 v3, v2  }
0xdd: {  	v54 =	vsub.f32 v49, v2;
	v55 =	vmul.f32 v3, v3;
	v6 =	vadd.f32 v16, v6  }
0xde: {  	v56 =	vmul.f32 v2, v2;
	v11 =	vadd.f32 v52, v50;
	v15 =	vmul.f32 v53, v53  }
0xdf: {  	v12 =	vadd.f32 v55, v47;
	v57 =	vmul.f32 v54, v54;
	v17 =	vmul.f32 v51, v51  }
0xe0: {  	v14 =	vadd.f32 v56, v14;
	v6 =	vadd.f32 v15, v6  }
0xe1: {  	v1 =	vadd.f32 v57, v1;
	v9 =	vadd.f32 v17, v9  }
0xe2: {  	v12 =	vmin.f32 v14, v12;
	v6 =	vmin.f32 v11, v6  }
0xe3: {  	v1 =	vmin.f32 v1, v9;
	v6 =	vmin.f32 v12, v6  }
0xe4: {  	v1 =	vmin.f32 v6, v1  }
0xe5: {  	v1 =	vmax.f32 v1, $1.000000020e-24  }
0xe6: {  	v6 =	vshra.s32 v1, $0x1;
	v58 =	vmul.f32 $5.000000000e-01, v1  }
0xe7: {  	v6 =	vsub.s32 $0x5F3759DF, v6  }
0xe8: {  	v59 =	vmul.f32 v7, v3;
	v60 =	vmul.f32 v6, v58  }
0xe9: {  	v3 =	vmul.f32 v13, v3;
	v62 =	vmul.f32 v49, v10  }
0xea: {  	v61 =	vmul.f32 v49, v4;
	v12 =	vmul.f32 v6, v60  }
0xeb: {  	v4 =	vmul.f32 v13, v4;
	v3 =	vsub.f32 v62, v3  }
0xec: {  	v7 =	vmul.f32 v7, v10;
	v11 =	vsub.f32 v61, v59;
	v63 =	vsub.f32 $1.500000000e+00, v12  }
0xed: {  	v3 =	vmul.f32 v3, v8  }
0xee: {  	v4 =	vsub.f32 v7, v4;
	v5 =	vmul.f32 v11, v5;
	v6 =	vmul.f32 v6, v63;
	_ =	sdelay $0x1  }
0xef: {  	v2 =	vmul.f32 v4, v2;
	v3 =	vsub.f32 v5, v3;
	v4 =	vmul.f32 v6, v58;
	_ =	sdelay $0x1  }
0xf0: {  	v2 =	vadd.f32 v3, v2;
	v3 =	vmul.f32 v4, v6;
	_ =	sdelay $0x1  }
0xf1: {  	v3 =	vsub.f32 $1.500000000e+00, v3  }
0xf2: {  	s24 =	sadd.s32 $0x0, s30;
	v2 =	vand.u32 $0x7FFFFFFF, v2  }
0xf3: {  	s20 =	sand.u32 $0x380, s24;
	v2 =	vmul.f32 $1.666666720e-01, v2;
	v3 =	vmul.f32 v3, v6  }
0xf4: {  	s21 =	sor.u32 s15, s20  }
0xf5: {  	s4 =	simm.s32 $0x1;
	[tilespmem:s21+$0x1BC00] =	vst v2;
	v2 =	vld [tilespmem:s21+$0x1B800];
	v4 =	vmul.f32 v3, v58  }
.LBB2_16:
0xf6: {  	p2 =	sne.s32 s4, $0x1F  }
0xf7: {  	s16 =	sadd.s32 $0x10, s16;
	s20 =	smov.u32 s4;
	s4 =	sadd.s32 $0x1, s4  }
0xf8: {  	v4 =	vmul.f32 v4, v3;
	_ =	sdelay $0x1  }
0xf9: {  	v4 =	vsub.f32 $1.500000000e+00, v4;
	_ =	sdelay $0x1  }
0xfa: {  	v3 =	vmul.f32 v4, v3;
	_ =	sdelay $0x1  }
0xfb: {  	v2 =	vsub.f32 $0.0e+00, v2;
	v1 =	vmul.f32 v3, v1  }
0xfc: {  	s20 =	sshll.u32 s20, $0x6  }
0xfd: {  	s22 =	sand.u32 $0xFFFFFE00, s20;
	s15 =	sand.u32 $0x3FFFFE00, s20;
	v1 =	vmul.f32 v1, v2  }
0xfe: {  	s20 =	sand.u32 $0x70, s16;
	s22 =	sadd.s32 s28, s22;
	s15 =	sadd.s32 s15, s17  }
0xff: {  	s24 =	sor.u32 s20, s22;
	s15 =	sadd.s32 s20, s15;
	s22 =	sor.u32 s22, s16;
	v1 =	vmul.f32 $1.442695020e+00, v1  }
0x100: {  	s22 =	sor.u32 $0x180, s22  }
0x101: {  	(erf) = vpow2.f32 v1;
	_ =	sdelay $0x8  }
0x102: {  	v1 =	vpop (erf)  }
0x103: {  	v1 =	vsub.f32 $1.000000000e+00, v1;
	_ =	sdelay $0x1  }
0x104: {  	[tilespmem:s21+$0x1C000] =	vst v1  }
0x105: {  	v1 =	vld [tilespmem:s22+$0x19800]  }
0x106: {  	v2 =	vld [tilespmem:s15+$0x0]  }
0x107: {  	v3 =	vld [tilespmem:s15+$0x100]  }
0x108: {  	v4 =	vld [tilespmem:s15+$0x180]  }
0x109: {  	v5 =	vld [tilespmem:s24+$0x19880]  }
0x10a: {  	v6 =	vld [tilespmem:s24+$0x19800]  }
0x10b: {  	v7 =	vld [tilespmem:s24+$0x1A800]  }
0x10c: {  	v8 =	vld [tilespmem:s22+$0x1A800]  }
0x10d: {  	v9 =	vld [tilespmem:s24+$0x1A880]  }
0x10e: {  	v10 =	vld [tilespmem:s24+$0x1A900]  }
0x10f: {  	v11 =	vld [tilespmem:s15+$0x80]  }
0x110: {  	v12 =	vld [tilespmem:s24+$0x19900]  }
0x111: {  	v4 =	vld.idx.msk [tilespmem:v4+s7+$0x0], $0xffff;
	v8 =	vsub.f32 v8, v7  }
0x112: {  	v9 =	vsub.f32 v9, v7  }
0x113: {  	v7 =	vsub.f32 v10, v7  }
0x114: {  	v1 =	vsub.f32 v1, v6;
	v10 =	vsub.f32 v8, v9  }
0x115: {  	v3 =	vld.idx.msk [tilespmem:v3+s7+$0x0], $0xffff;
	v12 =	vsub.f32 v12, v6;
	v13 =	vsub.f32 v7, v9  }
0x116: {  	v5 =	vsub.f32 v5, v6;
	v14 =	vmul.f32 v1, v1;
	v6 =	vsub.f32 v8, v7  }
0x117: {  	v16 =	vmul.f32 v9, v9;
	v2 =	vld.idx.msk [tilespmem:v2+s7+$0x0], $0xffff;
	v15 =	vsub.f32 v1, v12;
	v17 =	vmul.f32 v12, v12  }
0x118: {  	v19 =	vmul.f32 v5, v5;
	v18 =	vmul.f32 v1, v7;
	v11 =	vld.idx.msk [tilespmem:v11+s7+$0x0], $0xffff  }
0x119: {  	v20 =	vsub.f32 v1, v5;
	v6 =	vmul.f32 v6, v6;
	v15 =	vmul.f32 v15, v15  }
0x11a: {  	v23 =	vmul.f32 v7, v7;
	v21 =	vmul.f32 v8, v12;
	v22 =	vsub.f32 v12, v5  }
0x11b: {  	v16 =	vadd.f32 v16, v19;
	v19 =	vmul.f32 v8, v8;
	v6 =	vadd.f32 v6, v15  }
0x11c: {  	v10 =	vmul.f32 v10, v10;
	v15 =	vadd.f32 v23, v17;
	v17 =	vmul.f32 v20, v20  }
0x11d: {  	v20 =	vmul.f32 v22, v22;
	v3 =	vsub.f32 v3, v2;
	v4 =	vsub.f32 v4, v2  }
0x11e: {  	v13 =	vmul.f32 v13, v13;
	v2 =	vsub.f32 v11, v2;
	v11 =	vadd.f32 v19, v14  }
0x11f: {  	v10 =	vadd.f32 v10, v17;
	v14 =	vsub.f32 v4, v3;
	v19 =	vmul.f32 v4, v4  }
0x120: {  	v8 =	vmul.f32 v8, v3;
	v17 =	vsub.f32 v3, v2;
	v22 =	vsub.f32 v4, v2  }
0x121: {  	v13 =	vadd.f32 v13, v20;
	v7 =	vmul.f32 v4, v7;
	v23 =	vmul.f32 v3, v3  }
0x122: {  	v20 =	vmul.f32 v2, v2;
	v11 =	vadd.f32 v19, v11;
	v17 =	vmul.f32 v17, v17  }
0x123: {  	v15 =	vadd.f32 v23, v15;
	v14 =	vmul.f32 v14, v14;
	v19 =	vmul.f32 v22, v22  }
0x124: {  	v1 =	vmul.f32 v1, v3;
	v3 =	vadd.f32 v20, v16;
	v13 =	vadd.f32 v17, v13  }
0x125: {  	v4 =	vmul.f32 v4, v12;
	v6 =	vadd.f32 v14, v6;
	v10 =	vadd.f32 v19, v10  }
0x126: {  	v7 =	vsub.f32 v7, v8;
	v3 =	vmin.f32 v3, v15;
	v8 =	vmin.f32 v11, v13  }
0x127: {  	v1 =	vsub.f32 v4, v1;
	v4 =	vmin.f32 v10, v6;
	v3 =	vmin.f32 v3, v8  }
0x128: {  	v5 =	vmul.f32 v7, v5;
	v3 =	vmin.f32 v3, v4  }
0x129: {  	v6 =	vsub.f32 v21, v18;
	v4 =	vmul.f32 v1, v9;
	v1 =	vmax.f32 v3, $1.000000020e-24  }
0x12a: {  	v3 =	vshra.s32 v1, $0x1;
	v7 =	vmul.f32 $5.000000000e-01, v1  }
0x12b: {  	v2 =	vmul.f32 v6, v2;
	v4 =	vsub.f32 v5, v4;
	v3 =	vsub.s32 $0x5F3759DF, v3  }
0x12c: {  	v5 =	vmul.f32 v3, v7  }
0x12d: {  	v2 =	vadd.f32 v4, v2  }
0x12e: {  	v4 =	vmul.f32 v3, v5  }
0x12f: {  	s15 =	sadd.s32 s16, s30;
	v2 =	vand.u32 $0x7FFFFFFF, v2  }
0x130: {  	s15 =	sand.u32 $0x380, s15;
	v2 =	vmul.f32 $1.666666720e-01, v2;
	v4 =	vsub.f32 $1.500000000e+00, v4  }
0x131: {  	s21 =	sor.u32 s20, s15  }
0x132: {  	v3 =	vmul.f32 v3, v4;
	[tilespmem:s21+$0x1BC00] =	vst v2;
	v2 =	vld [tilespmem:s21+$0x1B800];
	_ =	sdelay $0x1  }
0x133: {  	v4 =	vmul.f32 v3, v7;
	_ =	sdelay $0x1  }
0x134: {  	v4 =	vmul.f32 v4, v3;
	_ =	sdelay $0x1  }
.Ltmp13:
0x135: {  	v4 =	vsub.f32 $1.500000000e+00, v4;
	(pc) =	sbr.rel @p2 .LBB2_16-.Ltmp13, $3  }
0x136: {  	_ = 	snop  }
0x137: {  	v3 =	vmul.f32 v4, v3;
	_ =	sdelay $0x1  }
0x138: {  	v4 =	vmul.f32 v3, v7  }
0x139: {  	_ = 	snop  }
0x13a: {  	v4 =	vmul.f32 v4, v3;
	_ =	sdelay $0x1  }
0x13b: {  	v4 =	vsub.f32 $1.500000000e+00, v4;
	_ =	sdelay $0x1  }
0x13c: {  	v3 =	vmul.f32 v4, v3;
	_ =	sdelay $0x1  }
0x13d: {  	v2 =	vsub.f32 $0.0e+00, v2;
	v1 =	vmul.f32 v3, v1;
	_ =	sdelay $0x1  }
0x13e: {  	v1 =	vmul.f32 v1, v2;
	_ =	sdelay $0x1  }
0x13f: {  	v1 =	vmul.f32 $1.442695020e+00, v1;
	_ =	sdelay $0x1  }
0x140: {  	(erf) = vpow2.f32 v1;
	_ =	sdelay $0x8  }
0x141: {  	v1 =	vpop (erf)  }
0x142: {  	v1 =	vsub.f32 $1.000000000e+00, v1  }
.Ltmp14:
0x143: {  	s4 =	sshll.u32 s13, $0x6;
	s24 =	sshll.u32 s14, $0x9;
	(pc) =	sbr.rel .LBB2_18-.Ltmp14, $4  }
0x144: {  	s28 =	sadd.s32 s3, s4;
	s15 =	sor.u32 $0x1BC00, s24;
	[tilespmem:s21+$0x1C000] =	vst v1  }
0x145: {  	[hbm4b:s28+s7] =	stream.linear.scatter [tilespmem:s15], [sflag:$0x2], $0x200, $0x200038;
	[tilespmem:$0x1E940] =	vst v63  }
0x146: {  	s4 =	sadd.s32 s5, s4;
	s13 =	sor.u32 $0x1C000, s24  }
0x147: {  	[hbm4b:s4+s7] =	stream.linear.scatter [tilespmem:s13], [sflag:$0x2], $0x200, $0x200038;
	[tilespmem:$0x1E940] =	vst v63  }
.LBB2_19:
0x148: {  	_ =	strace $0x9000004A;
	s4 =	simm.s32 @!p0 $0x2  }
0x149: {  	_ =	swait.ge @!p0 [sflag:s4], $0x200  }
0x14a: {  	[sflag:s4] =	ssyncset.done @!p0 $0x0  }
0x14b: {  	[sflag:s4] =	ssyncadd.s32 @!p0 $0xFFFFFE00  }
0x14c: {  	_ =	swait.ge @!p0 [sflag:s4], $0x200  }
0x14d: {  	[sflag:s4] =	ssyncset.done @!p0 $0x0  }
0x14e: {  	[sflag:s4] =	ssyncadd.s32 @!p0 $0xFFFFFE00  }
0x14f: {  	_ =	swait.ge [sflag:s26], $0x200  }
0x150: {  	[sflag:s26] =	ssyncset.done $0x0  }
0x151: {  	[sflag:s26] =	ssyncadd.s32 $0xFFFFFE00  }
0x152: {  	_ =	swait.ge [sflag:s26], $0x200  }
0x153: {  	[sflag:s26] =	ssyncset.done $0x0  }
0x154: {  	s4 =	simm.s32 @!p1 $0x2;
	[sflag:s26] =	ssyncadd.s32 $0xFFFFFE00  }
0x155: {  	_ =	swait.ge @!p1 [sflag:s4], $0x200  }
0x156: {  	[sflag:s4] =	ssyncset.done @!p1 $0x0  }
0x157: {  	[sflag:s4] =	ssyncadd.s32 @!p1 $0xFFFFFE00  }
0x158: {  	_ =	swait.ge @!p1 [sflag:s4], $0x200  }
0x159: {  	[sflag:s4] =	ssyncset.done @!p1 $0x0  }
0x15a: {  	s8 =	simm.s32 $0x0;
	[sflag:s4] =	ssyncadd.s32 @!p1 $0xFFFFFE00;
	s4 =	simm.s32 $0x40  }
.LBB2_20:
0x15b: {  	p2 =	sne.s32 s4, $0x61FC0;
	[tilespmem:s8+$0x0] =	vst v0;
	s8 =	smov.u32 s4;
	s4 =	sadd.s32 $0x40, s4  }
.Ltmp15:
0x15c: {  	(pc) =	sbr.rel @p2 .LBB2_20-.Ltmp15, $2  }
0x15d: {  	_ =	sdelay $0x2  }
0x15e: {  	s8 =	sshra.s32 s8, $0x2  }
0x15f: {  	s13 =	simm.s32 $0x0  }
.Ltmp16:
0x160: {  	[tilespmem:s8+$0x0] =	vst v0;
	s24 =	rddreg [dreg:$0xa];
	s30 =	simm.s32 $0x18800;
	(pc) =	sbr.rel .LBB2_22-.Ltmp16, $4  }
0x161: {  	[tilespmem:s30], [sflag:$0x1] =	stream.linear.gather [hbm4b:s24+s13], $0x800, $0x38;
	[tilespmem:$0x1E940] =	vst v63  }
0x162: {  	s4 =	simm.s32 $0x1B800  }
0x163: {  	[tilespmem:s4], [sflag:$0x1] =	stream.linear.gather [hbm4b:s12+s13], $0x200, $0x38;
	[tilespmem:$0x1E940] =	vst v63  }
0x164: {  	s22 =	smov.u32 s12;
	s12 =	simm.s32 $0x1C400;
	_ =	strace $0x8000004B  }
.LBB2_33:
0x165: {  	p2 =	sne.s32 s4, $0xC4  }
.Ltmp17:
0x166: {  	_ = 	snop;
	(pc) =	sbr.rel @!p2 .LBB2_34-.Ltmp17, $2  }
0x167: {  	_ =	sdelay $0x2  }
0x168: {  	s13 =	smov.u32 s4  }
.LBB2_22:
0x169: {  	s4 =	sadd.s32 $0x1, s13  }
0x16a: {  	s8 =	sshll.u32 s4, $0x5  }
0x16b: {  	s8 =	sor.u32 s10, s8  }
0x16c: {  	p2 =	sgt.u32 s8, $0x1869  }
0x16d: {  	s14 =	sand.u32 @!p2 $0x1, s4;
	s16 =	sshll.u32 @!p2 s8, $0x8  }
0x16e: {  	s17 =	simm.s32 @!p2 $0x0;
	s8 =	sshll.u32 @!p2 s8, $0x6;
	s15 =	sshll.u32 @!p2 s14, $0xB  }
0x16f: {  	s16 =	sadd.s32 @!p2 s0, s16;
	s14 =	sshll.u32 @!p2 s14, $0x9;
	s15 =	sadd.s32 @!p2 $0x18800, s15  }
0x170: {  	[tilespmem:s15], [sflag:$0x1] =	stream.linear.gather @!p2 [hbm4b:s16+s17], $0x800, $0x200038;
	[tilespmem:$0x1E940] =	vst v63  }
0x171: {  	s28 =	sshll.u32 s13, $0x5;
	s8 =	sadd.s32 @!p2 s1, s8;
	s14 =	sor.u32 @!p2 $0x1B800, s14  }
0x172: {  	[tilespmem:s14], [sflag:$0x1] =	stream.linear.gather @!p2 [hbm4b:s8+s17], $0x200, $0x200038;
	[tilespmem:$0x1E940] =	vst v63  }
0x173: {  	p2 =	sge.u32 s28, s18  }
.Ltmp18:
0x174: {  	_ = 	snop;
	(pc) =	sbr.rel @p2 .LBB2_33-.Ltmp18, $1  }
0x175: {  	_ =	sdelay $0x3  }
0x176: {  	_ =	swait.ge [sflag:s25], $0x800  }
.Ltmp19:
0x177: {  	[sflag:s25] =	ssyncset.done $0x0;
	(pc) =	sbr.rel .LBB2_24-.Ltmp19, $4  }
0x178: {  	[sflag:s25] =	ssyncadd.s32 $0xFFFFF800  }
0x179: {  	_ =	swait.ge [sflag:s25], $0x200  }
0x17a: {  	s8 =	sshll.u32 s13, $0x4;
	s13 =	sshll.u32 s13, $0x9;
	[sflag:s25] =	ssyncset.done $0x0  }
0x17b: {  	s14 =	simm.s32 $0x0;
	s8 =	sand.u32 $0x10, s8;
	[sflag:s25] =	ssyncadd.s32 $0xFFFFFE00  }
.LBB2_32:
0x17c: {  	s14 =	sadd.s32 $0x1, s14  }
0x17d: {  	p2 =	sne.s32 s14, $0x20  }
.Ltmp20:
0x17e: {  	_ = 	snop;
	(pc) =	sbr.rel @!p2 .LBB2_33-.Ltmp20, $1  }
0x17f: {  	_ =	sdelay $0x3  }
.LBB2_24:
0x180: {  	s15 =	sshrl.u32 s14, $0x1  }
0x181: {  	s15 =	sand.u32 $0xC, s15  }
0x182: {  	s17 =	sshll.u32 s14, $0x4;
	s15 =	sor.u32 s8, s15  }
0x183: {  	s20 =	sand.u32 $0x70, s17;
	s15 =	sshll.u32 s15, $0x7  }
0x184: {  	s16 =	sor.u32 s20, s15  }
0x185: {  	v2 =	vld [tilespmem:s16+$0x18800];
	_ =	sdelay $0x3  }
0x186: {  	s21 =	sadd.s32 s13, s17  }
0x187: {  	s15 =	sand.u32 $0x380, s21  }
0x188: {  	s15 =	sor.u32 s20, s15  }
0x189: {  	v1 =	vld [tilespmem:s15+$0x1B800]  }
0x18a: {  	v3 =	vld.idx.msk [tilespmem:v2+s7+$0x0], $0xffff;
	_ =	sdelay $0x4  }
0x18b: {  	vm0 =	vgt.f32 v1, v3  }
0x18c: {  	v3 =	vsel vm0, $0x3F800000, v0  }
0x18d: {  	(xrf0) =	vmax.scan.msk.f32 $0xffff, v3;
	_ =	sdelay $0x5  }
0x18e: {  	v3, _, _ =	vpop (xrf0)  }
0x18f: {  	(v2sf) =	vpush v3, $0xF;
	_ =	sdelay $0xe  }
0x190: {  	s28 =	spop (v2sf)  }
0x191: {  	p2 =	sgt.f32 s28, $0.0e+00  }
.Ltmp21:
0x192: {  	_ = 	snop;
	(pc) =	sbr.rel @!p2 .LBB2_26-.Ltmp21, $1  }
0x193: {  	_ =	sdelay $0x3  }
.LBB2_25:
0x194: {  	[tilespmem:v2+s7+$0x0] =	vst.idx.msk vm0, v1  }
0x195: {  	v3 =	vld.idx.msk [tilespmem:v2+s7+$0x0], $0xffff;
	_ =	sdelay $0x4  }
0x196: {  	vm0 =	vgt.f32 v1, v3  }
0x197: {  	v3 =	vsel vm0, $0x3F800000, v0  }
0x198: {  	(xrf0) =	vmax.scan.msk.f32 $0xffff, v3;
	_ =	sdelay $0x5  }
0x199: {  	v3, _, _ =	vpop (xrf0)  }
0x19a: {  	(v2sf) =	vpush v3, $0xF;
	_ =	sdelay $0xe  }
0x19b: {  	s15 =	spop (v2sf)  }
0x19c: {  	p2 =	sgt.f32 s15, $0.0e+00  }
.Ltmp22:
0x19d: {  	_ = 	snop;
	(pc) =	sbr.rel @p2 .LBB2_25-.Ltmp22, $1  }
0x19e: {  	_ =	sdelay $0x3  }
.LBB2_26:
0x19f: {  	s16 =	sadd.s32 $0x18800, s16  }
0x1a0: {  	v2 =	vld [tilespmem:s16+$0x80];
	_ =	sdelay $0x7  }
0x1a1: {  	v3 =	vld.idx.msk [tilespmem:v2+s7+$0x0], $0xffff;
	_ =	sdelay $0x4  }
0x1a2: {  	vm0 =	vgt.f32 v1, v3  }
0x1a3: {  	v3 =	vsel vm0, $0x3F800000, v0  }
0x1a4: {  	(xrf0) =	vmax.scan.msk.f32 $0xffff, v3;
	_ =	sdelay $0x5  }
0x1a5: {  	v3, _, _ =	vpop (xrf0)  }
0x1a6: {  	(v2sf) =	vpush v3, $0xF;
	_ =	sdelay $0xe  }
0x1a7: {  	s15 =	spop (v2sf)  }
0x1a8: {  	p2 =	sgt.f32 s15, $0.0e+00  }
.Ltmp23:
0x1a9: {  	_ = 	snop;
	(pc) =	sbr.rel @!p2 .LBB2_28-.Ltmp23, $1  }
0x1aa: {  	_ =	sdelay $0x3  }
.LBB2_27:
0x1ab: {  	[tilespmem:v2+s7+$0x0] =	vst.idx.msk vm0, v1  }
0x1ac: {  	v3 =	vld.idx.msk [tilespmem:v2+s7+$0x0], $0xffff;
	_ =	sdelay $0x4  }
0x1ad: {  	vm0 =	vgt.f32 v1, v3  }
0x1ae: {  	v3 =	vsel vm0, $0x3F800000, v0  }
0x1af: {  	(xrf0) =	vmax.scan.msk.f32 $0xffff, v3;
	_ =	sdelay $0x5  }
0x1b0: {  	v3, _, _ =	vpop (xrf0)  }
0x1b1: {  	(v2sf) =	vpush v3, $0xF;
	_ =	sdelay $0xe  }
0x1b2: {  	s15 =	spop (v2sf)  }
0x1b3: {  	p2 =	sgt.f32 s15, $0.0e+00  }
.Ltmp24:
0x1b4: {  	_ = 	snop;
	(pc) =	sbr.rel @p2 .LBB2_27-.Ltmp24, $1  }
0x1b5: {  	_ =	sdelay $0x3  }
.LBB2_28:
0x1b6: {  	v2 =	vld [tilespmem:s16+$0x100];
	_ =	sdelay $0x7  }
0x1b7: {  	v3 =	vld.idx.msk [tilespmem:v2+s7+$0x0], $0xffff;
	_ =	sdelay $0x4  }
0x1b8: {  	vm0 =	vgt.f32 v1, v3  }
0x1b9: {  	v3 =	vsel vm0, $0x3F800000, v0  }
0x1ba: {  	(xrf0) =	vmax.scan.msk.f32 $0xffff, v3;
	_ =	sdelay $0x5  }
0x1bb: {  	v3, _, _ =	vpop (xrf0)  }
0x1bc: {  	(v2sf) =	vpush v3, $0xF;
	_ =	sdelay $0xe  }
0x1bd: {  	s15 =	spop (v2sf)  }
0x1be: {  	p2 =	sgt.f32 s15, $0.0e+00  }
.Ltmp25:
0x1bf: {  	_ = 	snop;
	(pc) =	sbr.rel @!p2 .LBB2_30-.Ltmp25, $1  }
0x1c0: {  	_ =	sdelay $0x3  }
.LBB2_29:
0x1c1: {  	[tilespmem:v2+s7+$0x0] =	vst.idx.msk vm0, v1  }
0x1c2: {  	v3 =	vld.idx.msk [tilespmem:v2+s7+$0x0], $0xffff;
	_ =	sdelay $0x4  }
0x1c3: {  	vm0 =	vgt.f32 v1, v3  }
0x1c4: {  	v3 =	vsel vm0, $0x3F800000, v0  }
0x1c5: {  	(xrf0) =	vmax.scan.msk.f32 $0xffff, v3;
	_ =	sdelay $0x5  }
0x1c6: {  	v3, _, _ =	vpop (xrf0)  }
0x1c7: {  	(v2sf) =	vpush v3, $0xF;
	_ =	sdelay $0xe  }
0x1c8: {  	s15 =	spop (v2sf)  }
0x1c9: {  	p2 =	sgt.f32 s15, $0.0e+00  }
.Ltmp26:
0x1ca: {  	_ = 	snop;
	(pc) =	sbr.rel @p2 .LBB2_29-.Ltmp26, $1  }
0x1cb: {  	_ =	sdelay $0x3  }
.LBB2_30:
0x1cc: {  	v2 =	vld [tilespmem:s16+$0x180];
	_ =	sdelay $0x7  }
0x1cd: {  	v3 =	vld.idx.msk [tilespmem:v2+s7+$0x0], $0xffff;
	_ =	sdelay $0x4  }
0x1ce: {  	vm0 =	vgt.f32 v1, v3  }
0x1cf: {  	v3 =	vsel vm0, $0x3F800000, v0  }
0x1d0: {  	(xrf0) =	vmax.scan.msk.f32 $0xffff, v3;
	_ =	sdelay $0x5  }
0x1d1: {  	v3, _, _ =	vpop (xrf0)  }
0x1d2: {  	(v2sf) =	vpush v3, $0xF;
	_ =	sdelay $0xe  }
0x1d3: {  	s15 =	spop (v2sf)  }
0x1d4: {  	p2 =	sgt.f32 s15, $0.0e+00  }
.Ltmp27:
0x1d5: {  	_ = 	snop;
	(pc) =	sbr.rel @!p2 .LBB2_32-.Ltmp27, $1  }
0x1d6: {  	_ =	sdelay $0x3  }
.LBB2_31:
0x1d7: {  	[tilespmem:v2+s7+$0x0] =	vst.idx.msk vm0, v1  }
0x1d8: {  	v3 =	vld.idx.msk [tilespmem:v2+s7+$0x0], $0xffff;
	_ =	sdelay $0x4  }
0x1d9: {  	vm0 =	vgt.f32 v1, v3  }
0x1da: {  	v3 =	vsel vm0, $0x3F800000, v0  }
0x1db: {  	(xrf0) =	vmax.scan.msk.f32 $0xffff, v3;
	_ =	sdelay $0x5  }
0x1dc: {  	v3, _, _ =	vpop (xrf0)  }
0x1dd: {  	(v2sf) =	vpush v3, $0xF;
	_ =	sdelay $0xe  }
0x1de: {  	s15 =	spop (v2sf)  }
0x1df: {  	p2 =	sgt.f32 s15, $0.0e+00  }
.Ltmp28:
0x1e0: {  	_ = 	snop;
	(pc) =	sbr.rel @p2 .LBB2_31-.Ltmp28, $1  }
0x1e1: {  	_ =	sdelay $0x3  }
.Ltmp29:
0x1e2: {  	_ = 	snop;
	(pc) =	sbr.rel .LBB2_32-.Ltmp29, $1  }
0x1e3: {  	_ =	sdelay $0x3  }
.LBB2_34:
0x1e4: {  	_ =	strace $0x9000004B;
	s4 =	simm.s32 $0x40;
	s8 =	simm.s32 $0x0  }
.LBB2_35:
0x1e5: {  	p2 =	sne.s32 s4, $0x30C0;
	[tilespmem:s8+$0x1C400] =	vst v0;
	s8 =	smov.u32 s4;
	s4 =	sadd.s32 $0x40, s4  }
.Ltmp30:
0x1e6: {  	(pc) =	sbr.rel @p2 .LBB2_35-.Ltmp30, $2  }
0x1e7: {  	_ =	sdelay $0x2  }
0x1e8: {  	s8 =	sshra.s32 s8, $0x2  }
0x1e9: {  	[tilespmem:s8+$0x1C400] =	vst v0  }
0x1ea: {  	s4 =	simm.s32 $0x0;
	_ =	strace $0x8000004C  }
.LBB2_37:
0x1eb: {  	s8 =	sadd.s32 s2, s4  }
0x1ec: {  	s8 =	sand.u32 $0xF, s8  }
0x1ed: {  	s13 =	smul.u32 $0x3100, s8  }
0x1ee: {  	s8 =	smul.u32 $0x6200, s8  }
0x1ef: {  	s13 =	sshrl.u32 s13, $0x2  }
0x1f0: {  	s8 =	sshrl.u32 s8, $0x2;
	s13 =	sadd.s32 s13, s6  }
0x1f1: {  	[spmem:s13] =	stream.linear.scatter [tilespmem:s8], [sflag:$0x3], $0xC40, $0x200038;
	[tilespmem:$0x1E940] =	vst v63  }
0x1f2: {  	_ =	swait.ge [sflag:s23], $0xC40  }
0x1f3: {  	[sflag:s23] =	ssyncset.done $0x0  }
0x1f4: {  	[sflag:s23] =	ssyncadd.s32 $0xFFFFF3C0  }
0x1f5: {  	[bflag:$0x0] =	sbarrier.arrive $0xFFFF  }
0x1f6: {  	[tilespmem:s31], [sflag:$0x3] =	stream.linear.gather [spmem:s19], $0xC40, $0x200038;
	[tilespmem:$0x1E940] =	vst v63  }
0x1f7: {  	_ =	swait.ge [sflag:s23], $0xC40  }
0x1f8: {  	[sflag:s23] =	ssyncset.done $0x0  }
0x1f9: {  	s8 =	simm.s32 $0x0;
	[sflag:s23] =	ssyncadd.s32 $0xFFFFF3C0  }
0x1fa: {  	s13 =	simm.s32 $0x40;
	v1 =	vld [tilespmem:s8+$0x1D080]  }
.LBB2_38:
0x1fb: {  	p2 =	sne.s32 s13, $0x30C0;
	v2 =	vld [tilespmem:s8+$0x1C400];
	_ =	sdelay $0x1  }
.Ltmp31:
0x1fc: {  	(pc) =	sbr.rel @p2 .LBB2_38-.Ltmp31, $3  }
0x1fd: {  	_ =	sdelay $0x1  }
0x1fe: {  	s14 =	sshra.s32 s13, $0x2;
	v2 =	vmax.f32 v2, v1  }
0x1ff: {  	s13 =	sadd.s32 $0x40, s13;
	v1 =	vld [tilespmem:s14+$0x1D080];
	[tilespmem:s8+$0x1C400] =	vst v2;
	s8 =	smov.u32 s14  }
0x200: {  	v2 =	vld [tilespmem:s8+$0x1C400];
	_ =	sdelay $0x1  }
0x201: {  	s4 =	sadd.s32 $0x1, s4  }
0x202: {  	p2 =	sne.s32 s4, $0x10  }
.Ltmp32:
0x203: {  	_ = 	snop;
	(pc) =	sbr.rel @p2 .LBB2_37-.Ltmp32, $3  }
0x204: {  	v1 =	vmax.f32 v2, v1  }
0x205: {  	[tilespmem:s8+$0x1C400] =	vst v1  }
0x206: {  	[bflag:$0x0] =	sbarrier.arrive $0xFFFF;
	_ =	sdelay $0x1  }
0x207: {  	_ =	strace $0x9000004C  }
0x208: {  	s4 =	simm.s32 $0x0;
	s8 =	rddreg [dreg:$0xd]  }
0x209: {  	[hbm4b:s8+s4] =	stream.linear.scatter [tilespmem:s12], [sflag:$0x3], $0xC40, $0x38;
	[tilespmem:$0x1E940] =	vst v63  }
0x20a: {  	_ =	swait.ge [sflag:s23], $0xC40  }
0x20b: {  	[sflag:s23] =	ssyncset.done $0x0  }
0x20c: {  	s4 =	simm.s32 $0x40;
	s8 =	simm.s32 $0x0;
	[sflag:s23] =	ssyncadd.s32 $0xFFFFF3C0  }
.LBB2_41:
0x20d: {  	p2 =	sne.s32 s4, $0x30C0;
	[tilespmem:s8+$0x1C400] =	vst v0;
	s8 =	smov.u32 s4;
	s4 =	sadd.s32 $0x40, s4  }
.Ltmp33:
0x20e: {  	(pc) =	sbr.rel @p2 .LBB2_41-.Ltmp33, $2  }
0x20f: {  	_ =	sdelay $0x2  }
0x210: {  	s8 =	sshra.s32 s8, $0x2  }
0x211: {  	[tilespmem:s8+$0x1C400] =	vst v0  }
0x212: {  	s4 =	simm.s32 $0x0;
	_ =	strace $0x8000004D  }
.LBB2_43:
0x213: {  	s8 =	sadd.s32 s2, s4  }
0x214: {  	s8 =	sand.u32 $0xF, s8  }
0x215: {  	s13 =	smul.u32 $0x3100, s8  }
0x216: {  	s8 =	smul.u32 $0x6200, s8;
	_ =	sdelay $0x1  }
0x217: {  	s13 =	sshrl.u32 s13, $0x2;
	s8 =	sshrl.u32 s8, $0x2  }
0x218: {  	s13 =	sadd.s32 s13, s6;
	s8 =	sadd.s32 $0xC40, s8  }
0x219: {  	[spmem:s13] =	stream.linear.scatter [tilespmem:s8], [sflag:$0x3], $0xC40, $0x200038;
	[tilespmem:$0x1E940] =	vst v63  }
0x21a: {  	_ =	swait.ge [sflag:s23], $0xC40  }
0x21b: {  	[sflag:s23] =	ssyncset.done $0x0  }
0x21c: {  	[sflag:s23] =	ssyncadd.s32 $0xFFFFF3C0  }
0x21d: {  	[bflag:$0x0] =	sbarrier.arrive $0xFFFF  }
0x21e: {  	[tilespmem:s31], [sflag:$0x3] =	stream.linear.gather [spmem:s19], $0xC40, $0x200038;
	[tilespmem:$0x1E940] =	vst v63  }
0x21f: {  	_ =	swait.ge [sflag:s23], $0xC40  }
0x220: {  	[sflag:s23] =	ssyncset.done $0x0  }
0x221: {  	s8 =	simm.s32 $0x0;
	[sflag:s23] =	ssyncadd.s32 $0xFFFFF3C0  }
0x222: {  	s13 =	simm.s32 $0x40;
	v1 =	vld [tilespmem:s8+$0x1D080]  }
.LBB2_44:
0x223: {  	p2 =	sne.s32 s13, $0x30C0;
	v2 =	vld [tilespmem:s8+$0x1C400];
	_ =	sdelay $0x1  }
.Ltmp34:
0x224: {  	(pc) =	sbr.rel @p2 .LBB2_44-.Ltmp34, $3  }
0x225: {  	_ =	sdelay $0x1  }
0x226: {  	s14 =	sshra.s32 s13, $0x2;
	v2 =	vmax.f32 v2, v1  }
0x227: {  	s13 =	sadd.s32 $0x40, s13;
	v1 =	vld [tilespmem:s14+$0x1D080];
	[tilespmem:s8+$0x1C400] =	vst v2;
	s8 =	smov.u32 s14  }
0x228: {  	v2 =	vld [tilespmem:s8+$0x1C400];
	_ =	sdelay $0x1  }
0x229: {  	s4 =	sadd.s32 $0x1, s4  }
0x22a: {  	p2 =	sne.s32 s4, $0x10  }
.Ltmp35:
0x22b: {  	_ = 	snop;
	(pc) =	sbr.rel @p2 .LBB2_43-.Ltmp35, $3  }
0x22c: {  	v1 =	vmax.f32 v2, v1  }
0x22d: {  	[tilespmem:s8+$0x1C400] =	vst v1  }
0x22e: {  	[bflag:$0x0] =	sbarrier.arrive $0xFFFF;
	_ =	sdelay $0x1  }
0x22f: {  	_ =	strace $0x9000004D  }
0x230: {  	s4 =	rddreg [dreg:$0xe]  }
0x231: {  	[hbm4b:s4+s7] =	stream.linear.scatter [tilespmem:s12], [sflag:$0x3], $0xC40, $0x38;
	[tilespmem:$0x1E940] =	vst v63  }
0x232: {  	_ =	swait.ge [sflag:s23], $0xC40  }
0x233: {  	s29 =	sadd.s32 $0x1, s29;
	s28 =	rddreg [dreg:$0xf]  }
0x234: {  	p2 =	sne.s32 s29, s28  }
.Ltmp36:
0x235: {  	_ = 	snop;
	(pc) =	sbr.rel @p2 .LBB2_1-.Ltmp36, $3  }
0x236: {  	_ =	sdelay $0x1  }
0x237: {  	[sflag:s23] =	ssyncset.done $0x0  }
0x238: {  	[sflag:s23] =	ssyncadd.s32 $0xFFFFF3C0  }
0x239: {  	_ =	sfence.sel $0x180000  }
0x23a: {  	[bflag:$0x0] =	sbarrier.arrive $0xFFFF  }
0x23b: {  	_ =	strace $0x90000047  }
0x23c: {  	[bflag:$0x2] =	sbarrier.arrive $0xFFFF  }
0x23d: {  	p0 =	sne.s32 s2, $0x0;
	s0 =	rddreg [dreg:$0x6]  }
0x23e: {  	s0 =	sadd.s32 @!p0 $0x100000, s0  }
0x23f: {  	[sflag:s0] =	ssyncadd.tile.s32 @!p0 $0x1;
	_ =	shalt  }
.Lfunc_end2:
_tile_overlayer_lowered:
.L_overlay_start_2:
0x240: {  	(tag) =	ssettag $0x2  }
0x241: {  	s0 =	rddreg [dreg:$0x0];
	s2 =	stileid.u32  }
0x242: {  	s1 =	rddreg [dreg:$0x1];
	p0 =	sne.s32 s2, $0x0  }
0x243: {  	s3 =	rddreg [dreg:$0x2];
	[bflag:$0x3] =	sbarrier.arrive $0xFFFF;
	s2 =	simm.s32 @!p0 $0x1C03  }
0x244: {  	[timem:s3], [sflag:s2] =	dma.local @!p0 [hbm:s0], s1  }
0x245: {  	s0 =	simm.s32 @!p0 $0x3  }
0x246: {  	_ =	swait.ge @!p0 [sflag:s0], s1  }
0x247: {  	s1 =	ssub.s32 @!p0 $0x0, s1;
	[sflag:s0] =	ssyncset.done @!p0 $0x0  }
0x248: {  	[sflag:s0] =	ssyncadd.s32 @!p0 s1  }
0x249: {  	[bflag:$0x3] =	sbarrier.arrive $0xFFFF  }
0x24a: {  	_ =	shalt  }

</sc_bundles>
